<compile_context>
chip_gen: v7x
topology: tpu7x:2x2x1
jax: 0.10.2.dev20260603
libtpu: 0.0.44.dev20260713+nightly
codegen_flags: <defaults>
</compile_context>

<pallas_src>
import functools

import jax
import jax.numpy as jnp
from jax import lax
from jax.experimental import pallas as pl
from jax.experimental.pallas import tpu as pltpu
from jax.experimental.pallas import tpu_sc as plsc

_E = 320000
_N = 10000
_D = 128

_NC = 2
_NS = 16
_NW = _NC * _NS
_CH = 128
_NCHUNKS = _E // _CH
_CPW = _NCHUNKS // _NW
_EXTRA = _NCHUNKS % _NW

def _sc_gather_body(s_hbm, r_hbm, nl_hbm, out_s, out_r,
                    nl_sh, sidx, ridx, srow, rrow, sem_s, sem_r):
    cid = lax.axis_index("c")
    sid = lax.axis_index("s")
    wid = sid * _NC + cid

    @pl.when(sid == 0)
    def _stage():
        pltpu.sync_copy(nl_hbm, nl_sh)

    plsc.subcore_barrier()

    nt = _CPW + jnp.where(wid < _EXTRA, 1, 0)

    def body(t, carry):
        off = (t * _NW + wid) * _CH
        pltpu.sync_copy(s_hbm.at[pl.ds(off, _CH)], sidx)
        pltpu.sync_copy(r_hbm.at[pl.ds(off, _CH)], ridx)
        cp_s = pltpu.async_copy(nl_sh.at[sidx], srow, sem_s)
        cp_r = pltpu.async_copy(nl_sh.at[ridx], rrow, sem_r)
        cp_s.wait()
        cp_r.wait()
        pltpu.sync_copy(srow, out_s.at[pl.ds(off, _CH)])
        pltpu.sync_copy(rrow, out_r.at[pl.ds(off, _CH)])
        return carry

    lax.fori_loop(0, nt, body, 0)


def _sc_scatter_body(r_hbm, fx_hbm, fy_hbm, fz_hbm, zeros_hbm, out,
                     acc_sh, ridx, fidx, fval):
    cid = lax.axis_index("c")
    sid = lax.axis_index("s")
    wid = sid * _NC + cid

    @pl.when(sid == 0)
    def _init():
        pltpu.sync_copy(zeros_hbm, acc_sh)

    plsc.subcore_barrier()

    nt = _CPW + jnp.where(wid < _EXTRA, 1, 0)

    def body(t, carry):
        off = (t * _NW + wid) * _CH
        pltpu.sync_copy(r_hbm.at[pl.ds(off, _CH)], ridx)
        for c, f_hbm in enumerate((fx_hbm, fy_hbm, fz_hbm)):
            def idx_body(g, u, _c=c):
                rv = ridx[pl.ds(g * 16, 16)]
                fidx[pl.ds(g * 16, 16)] = rv * 3 + _c
                return u
            lax.fori_loop(0, _CH // 16, idx_body, 0)
            pltpu.sync_copy(f_hbm.at[pl.ds(off, _CH)], fval)
            pltpu.sync_copy(fval, acc_sh.at[fidx], add=True)
        return carry

    lax.fori_loop(0, nt, body, 0)
    plsc.subcore_barrier()

    @pl.when(sid == 0)
    def _flush():
        pltpu.sync_copy(acc_sh, out.at[cid])


@functools.cache
def _sc_kernels():
    mesh = plsc.VectorSubcoreMesh(core_axis_name="c", subcore_axis_name="s",
                                  num_cores=_NC, num_subcores=_NS)
    gather = pl.kernel(
        _sc_gather_body,
        out_type=(
            jax.ShapeDtypeStruct((_E, _D), jnp.float32),
            jax.ShapeDtypeStruct((_E, _D), jnp.float32),
        ),
        mesh=mesh,
        scratch_types=[
            pltpu.VMEM_SHARED((_N, _D), jnp.float32),
            pltpu.VMEM((_CH,), jnp.int32),
            pltpu.VMEM((_CH,), jnp.int32),
            pltpu.VMEM((_CH, _D), jnp.float32),
            pltpu.VMEM((_CH, _D), jnp.float32),
            pltpu.SemaphoreType.DMA,
            pltpu.SemaphoreType.DMA,
        ],
    )
    scatter = pl.kernel(
        _sc_scatter_body,
        out_type=jax.ShapeDtypeStruct((_NC, _N * 3), jnp.float32),
        mesh=mesh,
        scratch_types=[
            pltpu.VMEM_SHARED((_N * 3,), jnp.float32),
            pltpu.VMEM((_CH,), jnp.int32),
            pltpu.VMEM((_CH,), jnp.int32),
            pltpu.VMEM((_CH,), jnp.float32),
        ],
    )
    return gather, scatter


_BE = 1600


def _edge_body(va_r, vb_r, vc_r, dx_r, attr_r, svt_r, svtm1_r, rvt_r, rvtm1_r,
               sr_r, rr_r,
               wf1, bf1, wf2, bf2, gf, bnf,
               we1, be1, we2, be2, ge, bne,
               wia, wib, wic, bi1, wi2, bi2, gi, bni,
               wc1, bc1, wc2t, bc2t,
               out_il, out_fijt):
    f32 = jnp.float32
    va = va_r[0]
    vb = vb_r[0]
    vc = vc_r[0]

    def proj6(vt, vtm1):
        return jnp.concatenate([
            jnp.sum(va * vt, axis=0, keepdims=True),
            jnp.sum(vb * vt, axis=0, keepdims=True),
            jnp.sum(vc * vt, axis=0, keepdims=True),
            jnp.sum(va * vtm1, axis=0, keepdims=True),
            jnp.sum(vb * vtm1, axis=0, keepdims=True),
            jnp.sum(vc * vtm1, axis=0, keepdims=True)], axis=0)

    dn_t = (((0,), (0,)), ((), ()))

    def ln(y, g, bn):
        mu = jnp.mean(y, axis=1, keepdims=True)
        yc = y - mu
        var = jnp.mean(yc * yc, axis=1, keepdims=True)
        return yc * lax.rsqrt(var + 1e-5) * g[...] + bn[...]

    def mm(x, w):
        return jnp.dot(x, w[...], preferred_element_type=f32)

    sft = proj6(svt_r[0], svtm1_r[0])
    rft = proj6(rvt_r[0], rvtm1_r[0])
    hs = jnp.maximum(
        lax.dot_general(sft, wf1[...], dn_t, preferred_element_type=f32)
        + bf1[...], 0.0)
    hr = jnp.maximum(
        -lax.dot_general(rft, wf1[...], dn_t, preferred_element_type=f32)
        + bf1[...], 0.0)
    sl = ln(mm(hs, wf2) + bf2[...], gf, bnf)
    rl = ln(mm(hr, wf2) + bf2[...], gf, bnf)

    dx = dx_r[0]
    nrm = jnp.sqrt(jnp.sum(dx * dx, axis=0, keepdims=True))
    ef = jnp.concatenate([nrm, attr_r[0]], axis=0)
    he = jnp.maximum(
        lax.dot_general(ef, we1[...], dn_t, preferred_element_type=f32)
        + be1[...], 0.0)
    el = ln(mm(he, we2) + be2[...], ge, bne)

    nsum = sr_r[...] + rr_r[...]
    h = jnp.maximum(mm(sl + rl, wia) + mm(nsum, wib) + mm(el, wic) + bi1[...],
                    0.0)
    il = ln(mm(h, wi2) + bi2[...], gi, bni)
    out_il[...] = il

    h2 = jnp.maximum(mm(il, wc1) + bc1[...], 0.0)
    coeft = lax.dot_general(wc2t[...], h2, (((1,), (1,)), ((), ())),
                            preferred_element_type=f32) + bc2t[...]
    out_fijt[0] = coeft[0:1] * va + coeft[1:2] * vb + coeft[2:3] * vc


def _edge_call(per_edge, weights):
    nb = _E // _BE
    grid = (nb,)

    def eb(rows):
        return pl.BlockSpec((1, rows, _BE), lambda i: (i, 0, 0))

    def rb(cols):
        return pl.BlockSpec((_BE, cols), lambda i: (i, 0))

    def wb(shape):
        return pl.BlockSpec(shape, lambda i: (0,) * len(shape))

    in_specs = ([eb(3)] * 4 + [eb(1)] + [eb(3)] * 4 + [rb(_D)] * 2
                + [wb(w.shape) for w in weights])
    return pl.pallas_call(
        _edge_body,
        grid=grid,
        in_specs=in_specs,
        out_specs=[rb(_D), eb(3)],
        out_shape=[
            jax.ShapeDtypeStruct((_E, _D), jnp.float32),
            jax.ShapeDtypeStruct((nb, 3, _BE), jnp.float32),
        ],
    )(*per_edge, *weights)


def _node_body(nl_r, nacc_r, p0_r, p1_r,
               wm1, bm1, wm2, bm2, wx1, bx1, wx2, bx2, out):
    f32 = jnp.float32
    nl = nl_r[...]
    hm = jnp.maximum(jnp.dot(nl, wm1[...], preferred_element_type=f32)
                     + bm1[...], 0.0)
    m = jnp.dot(hm, wm2[...], preferred_element_type=f32) + bm2[...]
    hx = jnp.maximum(jnp.dot(nl, wx1[...], preferred_element_type=f32)
                     + bx1[...], 0.0)
    fx = jnp.dot(hx, wx2[...], preferred_element_type=f32) + bx2[...]
    out[...] = m * nacc_r[...] + p0_r[...] + p1_r[...] - fx


def _node_call(node_latent, node_acc, p0, p1, weights):
    return pl.pallas_call(
        _node_body,
        out_shape=jax.ShapeDtypeStruct((_N, 3), jnp.float32),
    )(node_latent, node_acc, p0, p1, *weights)


def kernel(edge_index, senders_pos, receivers_pos, edge_dx_, edge_attr,
           vector_a, vector_b, vector_c, senders_v_t_, senders_v_tm1_,
           receivers_v_t_, receivers_v_tm1_, node_acc, node_latent, params):
    senders = edge_index[0]
    receivers = edge_index[1]

    sc_gather, sc_scatter = _sc_kernels()
    s_rows, r_rows = sc_gather(senders, receivers, node_latent)

    pf = params["edge_feat"]
    pe = params["edge"]
    pi = params["inter"]
    pc = params["i1"]
    wi1 = pi["W1"]
    edge_weights = [
        pf["W1"], pf["b1"][None, :], pf["W2"], pf["b2"][None, :],
        pf["g"][None, :], pf["bn"][None, :],
        pe["W1"], pe["b1"][None, :], pe["W2"], pe["b2"][None, :],
        pe["g"][None, :], pe["bn"][None, :],
        wi1[0:_D], wi1[_D:2 * _D], wi1[2 * _D:3 * _D], pi["b1"][None, :],
        pi["W2"], pi["b2"][None, :], pi["g"][None, :], pi["bn"][None, :],
        pc["W1"], pc["b1"][None, :], pc["W2"].T, pc["b2"][:, None],
    ]
    def t3(x):
        return jnp.transpose(x.reshape(_E // _BE, _BE, x.shape[1]), (0, 2, 1))

    per_edge = [t3(vector_a), t3(vector_b), t3(vector_c), t3(edge_dx_),
                t3(edge_attr), t3(senders_v_t_), t3(senders_v_tm1_),
                t3(receivers_v_t_), t3(receivers_v_tm1_),
                s_rows, r_rows]
    il, fijt3 = _edge_call(per_edge, edge_weights)

    zeros = jnp.zeros((_N * 3,), jnp.float32)
    partials = sc_scatter(receivers,
                          fijt3[:, 0, :].reshape(_E),
                          fijt3[:, 1, :].reshape(_E),
                          fijt3[:, 2, :].reshape(_E), zeros)
    p = partials.reshape(_NC, _N, 3)

    pm = params["m"]
    px = params["fext"]
    node_weights = [
        pm["W1"], pm["b1"][None, :], pm["W2"], pm["b2"][None, :],
        px["W1"], px["b1"][None, :], px["W2"], px["b2"][None, :],
    ]
    residual = _node_call(node_latent, node_acc, p[0], p[1], node_weights)
    return (residual, il)

# --- scband reference (transcript-rebuilt; emitter-appended) ---
"""Pipeline reference for scband-interaction-block-3143916061060 (READ-ONLY COPY).

The authoritative reference and input builder live on the scoring server;
editing this copy changes nothing except your own understanding.
"""

import jax, jax.numpy as jnp
import numpy as np

LATENT = 128
N_NODES = 10000
N_EDGES = 320000


def _mlp_params(key, din, dh, dout, lay_norm):
    k1, k2 = jax.random.split(key)
    p = {
        "W1": jax.random.normal(k1, (din, dh), dtype=jnp.float32) / np.sqrt(din),
        "b1": jnp.zeros((dh,), dtype=jnp.float32),
        "W2": jax.random.normal(k2, (dh, dout), dtype=jnp.float32) / np.sqrt(dh),
        "b2": jnp.zeros((dout,), dtype=jnp.float32),
    }
    if lay_norm:
        p["g"] = jnp.ones((dout,), dtype=jnp.float32)
        p["bn"] = jnp.zeros((dout,), dtype=jnp.float32)
    return p


def _mlp_apply(p, x):
    h = jnp.maximum(jnp.dot(x, p["W1"]) + p["b1"], 0.0)
    y = jnp.dot(h, p["W2"]) + p["b2"]
    if "g" in p:
        mu = jnp.mean(y, axis=-1, keepdims=True)
        var = jnp.var(y, axis=-1, keepdims=True)
        y = (y - mu) / jnp.sqrt(var + 1e-5) * p["g"] + p["bn"]
    return y


def setup_inputs(seed: int = 0):
    key = jax.random.key(seed)
    ks = jax.random.split(key, 22)
    E, N, D = N_EDGES, N_NODES, LATENT
    inp = {}
    inp["edge_index"] = jax.random.randint(ks[0], (2, E), 0, N, dtype=jnp.int32)
    inp["senders_pos"] = jax.random.normal(ks[1], (E, 3), dtype=jnp.float32)
    inp["receivers_pos"] = jax.random.normal(ks[2], (E, 3), dtype=jnp.float32)
    inp["edge_dx_"] = jax.random.normal(ks[3], (E, 3), dtype=jnp.float32)
    inp["edge_attr"] = jax.random.normal(ks[4], (E, 1), dtype=jnp.float32)
    inp["vector_a"] = jax.random.normal(ks[5], (E, 3), dtype=jnp.float32)
    inp["vector_b"] = jax.random.normal(ks[6], (E, 3), dtype=jnp.float32)
    inp["vector_c"] = jax.random.normal(ks[7], (E, 3), dtype=jnp.float32)
    inp["senders_v_t_"] = jax.random.normal(ks[8], (E, 3), dtype=jnp.float32)
    inp["senders_v_tm1_"] = jax.random.normal(ks[9], (E, 3), dtype=jnp.float32)
    inp["receivers_v_t_"] = jax.random.normal(ks[10], (E, 3), dtype=jnp.float32)
    inp["receivers_v_tm1_"] = jax.random.normal(ks[11], (E, 3), dtype=jnp.float32)
    inp["node_acc"] = jax.random.normal(ks[12], (N, 3), dtype=jnp.float32)
    inp["node_latent"] = jax.random.normal(ks[13], (N, D), dtype=jnp.float32)
    inp["params"] = {
        "edge_feat": _mlp_params(ks[14], 6, D, D, True),
        "edge": _mlp_params(ks[15], 2, D, D, True),
        "inter": _mlp_params(ks[16], 3 * D, D, D, True),
        "i1": _mlp_params(ks[17], D, D, 3, False),
        "m": _mlp_params(ks[18], D, D, 1, False),
        "fext": _mlp_params(ks[19], D, D, 3, False),
    }
    return inp


def reference(edge_index, senders_pos, receivers_pos, edge_dx_, edge_attr, vector_a, vector_b, vector_c, senders_v_t_, senders_v_tm1_, receivers_v_t_, receivers_v_tm1_, node_acc, node_latent, params):
    senders = edge_index[0]
    receivers = edge_index[1]
    # InteractionEncoder
    basis = jnp.stack([vector_a, vector_b, vector_c], axis=1)  # [E, 3, 3]

    def project(v):
        return jnp.einsum("eij,ej->ei", basis, v)

    s_vt = project(senders_v_t_)
    s_vtm1 = project(senders_v_tm1_)
    r_vt = -project(receivers_v_t_)
    r_vtm1 = -project(receivers_v_tm1_)
    senders_features = jnp.concatenate([s_vt, s_vtm1], axis=1)
    receivers_features = jnp.concatenate([r_vt, r_vtm1], axis=1)
    edge_dx_norm = jnp.linalg.norm(edge_dx_, axis=1, keepdims=True)
    edge_latent = _mlp_apply(params["edge"], jnp.concatenate([edge_dx_norm, edge_attr], axis=1))
    senders_latent = _mlp_apply(params["edge_feat"], senders_features)
    receivers_latent = _mlp_apply(params["edge_feat"], receivers_features)
    node_sum = node_latent[senders] + node_latent[receivers]
    msg_input = jnp.concatenate([senders_latent + receivers_latent, node_sum, edge_latent], axis=1)
    interaction_latent = _mlp_apply(params["inter"], msg_input)
    # InteractionDecoder
    coeff_f = _mlp_apply(params["i1"], interaction_latent)
    fij = coeff_f[:, 0:1] * vector_a + coeff_f[:, 1:2] * vector_b + coeff_f[:, 2:3] * vector_c
    # NodeResidualDecoder
    m = _mlp_apply(params["m"], node_latent)
    fext = _mlp_apply(params["fext"], node_latent)
    out_fij = jnp.zeros((node_latent.shape[0], 3), dtype=node_latent.dtype).at[receivers].add(fij)
    residual = m * node_acc + out_fij - fext
    return (residual, interaction_latent)

if __name__ == "__main__":
    import jax
    _d = setup_inputs()
    print(jax.jit(kernel)(*tuple(_d.values())))

</pallas_src>

<mosaic_0001>
#map = affine_map<(d0, d1) -> (0)>
#map1 = affine_map<(d0, d1) -> (0, 0)>
module attributes {stable_mosaic.version = 14 : i64} {
  func.func @_sc_gather_body(%arg0: i32, %arg1: i32, %arg2: memref<320000xi32, #tpu.memory_space<hbm>>, %arg3: memref<320000xi32, #tpu.memory_space<hbm>>, %arg4: memref<10000x128xf32, #tpu.memory_space<hbm>>, %arg5: memref<320000x128xf32, #tpu.memory_space<hbm>>, %arg6: memref<320000x128xf32, #tpu.memory_space<hbm>>, %arg7: memref<10000x128xf32, #tpu.memory_space<vmem_shared>>, %arg8: memref<128xi32, #tpu.memory_space<vmem>>, %arg9: memref<128xi32, #tpu.memory_space<vmem>>, %arg10: memref<128x128xf32, #tpu.memory_space<vmem>>, %arg11: memref<128x128xf32, #tpu.memory_space<vmem>>, %arg12: memref<!tpu.dma_semaphore, #tpu.memory_space<semaphore_mem>>, %arg13: memref<!tpu.dma_semaphore, #tpu.memory_space<semaphore_mem>>) attributes {dimension_semantics = [#tpu.dimension_semantics<core_parallel>, #tpu.dimension_semantics<subcore_parallel>], iteration_bounds = array<i64: 2, 16>, scalar_prefetch = 0 : i64, scratch_operands = 7 : i64, tpu.core_type = #tpu.core_type<sc_vector_subcore>, window_params = [{transform_indices = #map}, {transform_indices = #map}, {transform_indices = #map1}, {transform_indices = #map1}, {transform_indices = #map1}]} {
    %mul3A = arith.constant 2 : i32
    %mul3A_0 = arith.muli %arg1, %mul3A : i32
    %add3A = arith.addi %mul3A_0, %arg0 : i32
    %eq3A = arith.constant 0 : i32
    %eq3A_1 = arith.cmpi eq, %arg1, %eq3A : i32
    %convert_element_type3A = arith.extui %eq3A_1 : i1 to i32
    %cond3A = arith.constant 0 : i32
    %cond3A_2 = arith.cmpi ne, %convert_element_type3A, %cond3A : i32
    scf.if %cond3A_2 {
      "tpu.region"() ({
        %run_scoped3A = tpu.sem_alloc : memref<!tpu.dma_semaphore, #tpu.memory_space<semaphore_mem>>
        tpu.enqueue_dma source(%arg4 : memref<10000x128xf32, #tpu.memory_space<hbm>>) target(%arg7 : memref<10000x128xf32, #tpu.memory_space<vmem_shared>>) target_semaphore(%run_scoped3A : memref<!tpu.dma_semaphore, #tpu.memory_space<semaphore_mem>>)
        tpu.wait_dma2 semaphore(%run_scoped3A : memref<!tpu.dma_semaphore, #tpu.memory_space<semaphore_mem>>) src(%arg4 : memref<10000x128xf32, #tpu.memory_space<hbm>>) dst(%arg7 : memref<10000x128xf32, #tpu.memory_space<vmem_shared>>)
        tpu.yield
      }) : () -> ()
    } else {
    }
    %barrier3A = arith.constant 0 : index
    tpu.barrier barrier_id(%barrier3A)
    %lt3A = arith.constant 4 : i32
    %lt3A_3 = arith.cmpi slt, %add3A, %lt3A : i32
    %jit3A = arith.constant 1 : i32
    %jit3A_4 = arith.constant 0 : i32
    %select_n3A = arith.select %lt3A_3, %jit3A, %jit3A_4 : i32
    %add3A_5 = arith.constant 78 : i32
    %add3A_6 = arith.addi %add3A_5, %select_n3A : i32
    %while3A = arith.constant 0 : i32
    %while3A_7 = arith.constant 0 : i32
    %while3A_8 = arith.subi %add3A_6, %while3A_7 : i32
    %while3A_9 = arith.addi %while3A_7, %while3A_8 : i32
    %while3A_10 = arith.constant 1 : i32
    %while3A_11 = arith.divsi %while3A_8, %while3A_10 : i32
    %while3A_12 = arith.muli %while3A_11, %while3A_10 : i32
    %while3A_13 = arith.addi %while3A_7, %while3A_12 : i32
    %while3A_14 = arith.constant 1 : i32
    scf.for %while3A_16 = %while3A_7 to %while3A_13 step %while3A_14  : i32 {
      %mul3A_17 = arith.constant 32 : i32
      %mul3A_18 = arith.muli %while3A_16, %mul3A_17 : i32
      %add3A_19 = arith.addi %mul3A_18, %add3A : i32
      %mul3A_20 = arith.constant 128 : i32
      %mul3A_21 = arith.muli %add3A_19, %mul3A_20 : i32
      "tpu.region"() ({
        %run_scoped3A = tpu.sem_alloc : memref<!tpu.dma_semaphore, #tpu.memory_space<semaphore_mem>>
        %dma_start3A_32 = tpu.memref_slice %arg2[%mul3A_21] : memref<320000xi32, #tpu.memory_space<hbm>> -> memref<128xi32, #tpu.memory_space<hbm>>
        %dma_start3A_33 = tpu.memref_slice %arg2[%mul3A_21] : memref<320000xi32, #tpu.memory_space<hbm>> -> memref<128xi32, #tpu.memory_space<hbm>>
        tpu.enqueue_dma source(%dma_start3A_33 : memref<128xi32, #tpu.memory_space<hbm>>) target(%arg8 : memref<128xi32, #tpu.memory_space<vmem>>) target_semaphore(%run_scoped3A : memref<!tpu.dma_semaphore, #tpu.memory_space<semaphore_mem>>)
        %dma_wait3A_34 = tpu.memref_slice %arg2[%mul3A_21] : memref<320000xi32, #tpu.memory_space<hbm>> -> memref<128xi32, #tpu.memory_space<hbm>>
        %dma_wait3A_35 = tpu.memref_slice %arg2[%mul3A_21] : memref<320000xi32, #tpu.memory_space<hbm>> -> memref<128xi32, #tpu.memory_space<hbm>>
        tpu.wait_dma2 semaphore(%run_scoped3A : memref<!tpu.dma_semaphore, #tpu.memory_space<semaphore_mem>>) src(%dma_wait3A_35 : memref<128xi32, #tpu.memory_space<hbm>>) dst(%arg8 : memref<128xi32, #tpu.memory_space<vmem>>)
        tpu.yield
      }) : () -> ()
      "tpu.region"() ({
        %run_scoped3A = tpu.sem_alloc : memref<!tpu.dma_semaphore, #tpu.memory_space<semaphore_mem>>
        %dma_start3A_32 = tpu.memref_slice %arg3[%mul3A_21] : memref<320000xi32, #tpu.memory_space<hbm>> -> memref<128xi32, #tpu.memory_space<hbm>>
        %dma_start3A_33 = tpu.memref_slice %arg3[%mul3A_21] : memref<320000xi32, #tpu.memory_space<hbm>> -> memref<128xi32, #tpu.memory_space<hbm>>
        tpu.enqueue_dma source(%dma_start3A_33 : memref<128xi32, #tpu.memory_space<hbm>>) target(%arg9 : memref<128xi32, #tpu.memory_space<vmem>>) target_semaphore(%run_scoped3A : memref<!tpu.dma_semaphore, #tpu.memory_space<semaphore_mem>>)
        %dma_wait3A_34 = tpu.memref_slice %arg3[%mul3A_21] : memref<320000xi32, #tpu.memory_space<hbm>> -> memref<128xi32, #tpu.memory_space<hbm>>
        %dma_wait3A_35 = tpu.memref_slice %arg3[%mul3A_21] : memref<320000xi32, #tpu.memory_space<hbm>> -> memref<128xi32, #tpu.memory_space<hbm>>
        tpu.wait_dma2 semaphore(%run_scoped3A : memref<!tpu.dma_semaphore, #tpu.memory_space<semaphore_mem>>) src(%dma_wait3A_35 : memref<128xi32, #tpu.memory_space<hbm>>) dst(%arg9 : memref<128xi32, #tpu.memory_space<vmem>>)
        tpu.yield
      }) : () -> ()
      %dma_start3A = arith.constant 0 : i32
      %dma_start3A_22 = arith.constant 0 : i32
      %dma_start3A_23 = tpu.memref_slice %arg7[%dma_start3A, %dma_start3A_22] : memref<10000x128xf32, #tpu.memory_space<vmem_shared>> -> memref<10000x128xf32, #tpu.memory_space<vmem_shared>>
      tpu.enqueue_indirect_dma source(%dma_start3A_23 : memref<10000x128xf32, #tpu.memory_space<vmem_shared>>) target(%arg10 : memref<128x128xf32, #tpu.memory_space<vmem>>) offsets(%arg8 : memref<128xi32, #tpu.memory_space<vmem>>) semaphore(%arg12 : memref<!tpu.dma_semaphore, #tpu.memory_space<semaphore_mem>>)
      %dma_start3A_24 = arith.constant 0 : i32
      %dma_start3A_25 = arith.constant 0 : i32
      %dma_start3A_26 = tpu.memref_slice %arg7[%dma_start3A_24, %dma_start3A_25] : memref<10000x128xf32, #tpu.memory_space<vmem_shared>> -> memref<10000x128xf32, #tpu.memory_space<vmem_shared>>
      tpu.enqueue_indirect_dma source(%dma_start3A_26 : memref<10000x128xf32, #tpu.memory_space<vmem_shared>>) target(%arg11 : memref<128x128xf32, #tpu.memory_space<vmem>>) offsets(%arg9 : memref<128xi32, #tpu.memory_space<vmem>>) semaphore(%arg13 : memref<!tpu.dma_semaphore, #tpu.memory_space<semaphore_mem>>)
      %dma_wait3A = arith.constant 0 : i32
      %dma_wait3A_27 = arith.constant 0 : i32
      %dma_wait3A_28 = tpu.memref_slice %arg7[%dma_wait3A, %dma_wait3A_27] : memref<10000x128xf32, #tpu.memory_space<vmem_shared>> -> memref<10000x128xf32, #tpu.memory_space<vmem_shared>>
      tpu.wait_indirect_dma semaphore(%arg12 : memref<!tpu.dma_semaphore, #tpu.memory_space<semaphore_mem>>) src(%dma_wait3A_28 : memref<10000x128xf32, #tpu.memory_space<vmem_shared>>) dst(%arg10 : memref<128x128xf32, #tpu.memory_space<vmem>>)
      %dma_wait3A_29 = arith.constant 0 : i32
      %dma_wait3A_30 = arith.constant 0 : i32
      %dma_wait3A_31 = tpu.memref_slice %arg7[%dma_wait3A_29, %dma_wait3A_30] : memref<10000x128xf32, #tpu.memory_space<vmem_shared>> -> memref<10000x128xf32, #tpu.memory_space<vmem_shared>>
      tpu.wait_indirect_dma semaphore(%arg13 : memref<!tpu.dma_semaphore, #tpu.memory_space<semaphore_mem>>) src(%dma_wait3A_31 : memref<10000x128xf32, #tpu.memory_space<vmem_shared>>) dst(%arg11 : memref<128x128xf32, #tpu.memory_space<vmem>>)
      "tpu.region"() ({
        %run_scoped3A = tpu.sem_alloc : memref<!tpu.dma_semaphore, #tpu.memory_space<semaphore_mem>>
        %dma_start3A_32 = arith.constant 0 : i32
        %dma_start3A_33 = tpu.memref_slice %arg5[%mul3A_21, %dma_start3A_32] : memref<320000x128xf32, #tpu.memory_space<hbm>> -> memref<128x128xf32, #tpu.memory_space<hbm>>
        %dma_start3A_34 = arith.constant 0 : i32
        %dma_start3A_35 = tpu.memref_slice %arg5[%mul3A_21, %dma_start3A_34] : memref<320000x128xf32, #tpu.memory_space<hbm>> -> memref<128x128xf32, #tpu.memory_space<hbm>>
        tpu.enqueue_dma source(%arg10 : memref<128x128xf32, #tpu.memory_space<vmem>>) target(%dma_start3A_35 : memref<128x128xf32, #tpu.memory_space<hbm>>) target_semaphore(%run_scoped3A : memref<!tpu.dma_semaphore, #tpu.memory_space<semaphore_mem>>)
        %dma_wait3A_36 = arith.constant 0 : i32
        %dma_wait3A_37 = tpu.memref_slice %arg5[%mul3A_21, %dma_wait3A_36] : memref<320000x128xf32, #tpu.memory_space<hbm>> -> memref<128x128xf32, #tpu.memory_space<hbm>>
        %dma_wait3A_38 = arith.constant 0 : i32
        %dma_wait3A_39 = tpu.memref_slice %arg5[%mul3A_21, %dma_wait3A_38] : memref<320000x128xf32, #tpu.memory_space<hbm>> -> memref<128x128xf32, #tpu.memory_space<hbm>>
        tpu.wait_dma2 semaphore(%run_scoped3A : memref<!tpu.dma_semaphore, #tpu.memory_space<semaphore_mem>>) src(%arg10 : memref<128x128xf32, #tpu.memory_space<vmem>>) dst(%dma_wait3A_39 : memref<128x128xf32, #tpu.memory_space<hbm>>)
        tpu.yield
      }) : () -> ()
      "tpu.region"() ({
        %run_scoped3A = tpu.sem_alloc : memref<!tpu.dma_semaphore, #tpu.memory_space<semaphore_mem>>
        %dma_start3A_32 = arith.constant 0 : i32
        %dma_start3A_33 = tpu.memref_slice %arg6[%mul3A_21, %dma_start3A_32] : memref<320000x128xf32, #tpu.memory_space<hbm>> -> memref<128x128xf32, #tpu.memory_space<hbm>>
        %dma_start3A_34 = arith.constant 0 : i32
        %dma_start3A_35 = tpu.memref_slice %arg6[%mul3A_21, %dma_start3A_34] : memref<320000x128xf32, #tpu.memory_space<hbm>> -> memref<128x128xf32, #tpu.memory_space<hbm>>
        tpu.enqueue_dma source(%arg11 : memref<128x128xf32, #tpu.memory_space<vmem>>) target(%dma_start3A_35 : memref<128x128xf32, #tpu.memory_space<hbm>>) target_semaphore(%run_scoped3A : memref<!tpu.dma_semaphore, #tpu.memory_space<semaphore_mem>>)
        %dma_wait3A_36 = arith.constant 0 : i32
        %dma_wait3A_37 = tpu.memref_slice %arg6[%mul3A_21, %dma_wait3A_36] : memref<320000x128xf32, #tpu.memory_space<hbm>> -> memref<128x128xf32, #tpu.memory_space<hbm>>
        %dma_wait3A_38 = arith.constant 0 : i32
        %dma_wait3A_39 = tpu.memref_slice %arg6[%mul3A_21, %dma_wait3A_38] : memref<320000x128xf32, #tpu.memory_space<hbm>> -> memref<128x128xf32, #tpu.memory_space<hbm>>
        tpu.wait_dma2 semaphore(%run_scoped3A : memref<!tpu.dma_semaphore, #tpu.memory_space<semaphore_mem>>) src(%arg11 : memref<128x128xf32, #tpu.memory_space<vmem>>) dst(%dma_wait3A_39 : memref<128x128xf32, #tpu.memory_space<hbm>>)
        tpu.yield
      }) : () -> ()
    }
    %while3A_15 = arith.constant 1 : i32
    scf.for %while3A_16 = %while3A_13 to %while3A_9 step %while3A_15  : i32 {
      %mul3A_17 = arith.constant 32 : i32
      %mul3A_18 = arith.muli %while3A_16, %mul3A_17 : i32
      %add3A_19 = arith.addi %mul3A_18, %add3A : i32
      %mul3A_20 = arith.constant 128 : i32
      %mul3A_21 = arith.muli %add3A_19, %mul3A_20 : i32
      "tpu.region"() ({
        %run_scoped3A = tpu.sem_alloc : memref<!tpu.dma_semaphore, #tpu.memory_space<semaphore_mem>>
        %dma_start3A_32 = tpu.memref_slice %arg2[%mul3A_21] : memref<320000xi32, #tpu.memory_space<hbm>> -> memref<128xi32, #tpu.memory_space<hbm>>
        %dma_start3A_33 = tpu.memref_slice %arg2[%mul3A_21] : memref<320000xi32, #tpu.memory_space<hbm>> -> memref<128xi32, #tpu.memory_space<hbm>>
        tpu.enqueue_dma source(%dma_start3A_33 : memref<128xi32, #tpu.memory_space<hbm>>) target(%arg8 : memref<128xi32, #tpu.memory_space<vmem>>) target_semaphore(%run_scoped3A : memref<!tpu.dma_semaphore, #tpu.memory_space<semaphore_mem>>)
        %dma_wait3A_34 = tpu.memref_slice %arg2[%mul3A_21] : memref<320000xi32, #tpu.memory_space<hbm>> -> memref<128xi32, #tpu.memory_space<hbm>>
        %dma_wait3A_35 = tpu.memref_slice %arg2[%mul3A_21] : memref<320000xi32, #tpu.memory_space<hbm>> -> memref<128xi32, #tpu.memory_space<hbm>>
        tpu.wait_dma2 semaphore(%run_scoped3A : memref<!tpu.dma_semaphore, #tpu.memory_space<semaphore_mem>>) src(%dma_wait3A_35 : memref<128xi32, #tpu.memory_space<hbm>>) dst(%arg8 : memref<128xi32, #tpu.memory_space<vmem>>)
        tpu.yield
      }) : () -> ()
      "tpu.region"() ({
        %run_scoped3A = tpu.sem_alloc : memref<!tpu.dma_semaphore, #tpu.memory_space<semaphore_mem>>
        %dma_start3A_32 = tpu.memref_slice %arg3[%mul3A_21] : memref<320000xi32, #tpu.memory_space<hbm>> -> memref<128xi32, #tpu.memory_space<hbm>>
        %dma_start3A_33 = tpu.memref_slice %arg3[%mul3A_21] : memref<320000xi32, #tpu.memory_space<hbm>> -> memref<128xi32, #tpu.memory_space<hbm>>
        tpu.enqueue_dma source(%dma_start3A_33 : memref<128xi32, #tpu.memory_space<hbm>>) target(%arg9 : memref<128xi32, #tpu.memory_space<vmem>>) target_semaphore(%run_scoped3A : memref<!tpu.dma_semaphore, #tpu.memory_space<semaphore_mem>>)
        %dma_wait3A_34 = tpu.memref_slice %arg3[%mul3A_21] : memref<320000xi32, #tpu.memory_space<hbm>> -> memref<128xi32, #tpu.memory_space<hbm>>
        %dma_wait3A_35 = tpu.memref_slice %arg3[%mul3A_21] : memref<320000xi32, #tpu.memory_space<hbm>> -> memref<128xi32, #tpu.memory_space<hbm>>
        tpu.wait_dma2 semaphore(%run_scoped3A : memref<!tpu.dma_semaphore, #tpu.memory_space<semaphore_mem>>) src(%dma_wait3A_35 : memref<128xi32, #tpu.memory_space<hbm>>) dst(%arg9 : memref<128xi32, #tpu.memory_space<vmem>>)
        tpu.yield
      }) : () -> ()
      %dma_start3A = arith.constant 0 : i32
      %dma_start3A_22 = arith.constant 0 : i32
      %dma_start3A_23 = tpu.memref_slice %arg7[%dma_start3A, %dma_start3A_22] : memref<10000x128xf32, #tpu.memory_space<vmem_shared>> -> memref<10000x128xf32, #tpu.memory_space<vmem_shared>>
      tpu.enqueue_indirect_dma source(%dma_start3A_23 : memref<10000x128xf32, #tpu.memory_space<vmem_shared>>) target(%arg10 : memref<128x128xf32, #tpu.memory_space<vmem>>) offsets(%arg8 : memref<128xi32, #tpu.memory_space<vmem>>) semaphore(%arg12 : memref<!tpu.dma_semaphore, #tpu.memory_space<semaphore_mem>>)
      %dma_start3A_24 = arith.constant 0 : i32
      %dma_start3A_25 = arith.constant 0 : i32
      %dma_start3A_26 = tpu.memref_slice %arg7[%dma_start3A_24, %dma_start3A_25] : memref<10000x128xf32, #tpu.memory_space<vmem_shared>> -> memref<10000x128xf32, #tpu.memory_space<vmem_shared>>
      tpu.enqueue_indirect_dma source(%dma_start3A_26 : memref<10000x128xf32, #tpu.memory_space<vmem_shared>>) target(%arg11 : memref<128x128xf32, #tpu.memory_space<vmem>>) offsets(%arg9 : memref<128xi32, #tpu.memory_space<vmem>>) semaphore(%arg13 : memref<!tpu.dma_semaphore, #tpu.memory_space<semaphore_mem>>)
      %dma_wait3A = arith.constant 0 : i32
      %dma_wait3A_27 = arith.constant 0 : i32
      %dma_wait3A_28 = tpu.memref_slice %arg7[%dma_wait3A, %dma_wait3A_27] : memref<10000x128xf32, #tpu.memory_space<vmem_shared>> -> memref<10000x128xf32, #tpu.memory_space<vmem_shared>>
      tpu.wait_indirect_dma semaphore(%arg12 : memref<!tpu.dma_semaphore, #tpu.memory_space<semaphore_mem>>) src(%dma_wait3A_28 : memref<10000x128xf32, #tpu.memory_space<vmem_shared>>) dst(%arg10 : memref<128x128xf32, #tpu.memory_space<vmem>>)
      %dma_wait3A_29 = arith.constant 0 : i32
      %dma_wait3A_30 = arith.constant 0 : i32
      %dma_wait3A_31 = tpu.memref_slice %arg7[%dma_wait3A_29, %dma_wait3A_30] : memref<10000x128xf32, #tpu.memory_space<vmem_shared>> -> memref<10000x128xf32, #tpu.memory_space<vmem_shared>>
      tpu.wait_indirect_dma semaphore(%arg13 : memref<!tpu.dma_semaphore, #tpu.memory_space<semaphore_mem>>) src(%dma_wait3A_31 : memref<10000x128xf32, #tpu.memory_space<vmem_shared>>) dst(%arg11 : memref<128x128xf32, #tpu.memory_space<vmem>>)
      "tpu.region"() ({
        %run_scoped3A = tpu.sem_alloc : memref<!tpu.dma_semaphore, #tpu.memory_space<semaphore_mem>>
        %dma_start3A_32 = arith.constant 0 : i32
        %dma_start3A_33 = tpu.memref_slice %arg5[%mul3A_21, %dma_start3A_32] : memref<320000x128xf32, #tpu.memory_space<hbm>> -> memref<128x128xf32, #tpu.memory_space<hbm>>
        %dma_start3A_34 = arith.constant 0 : i32
        %dma_start3A_35 = tpu.memref_slice %arg5[%mul3A_21, %dma_start3A_34] : memref<320000x128xf32, #tpu.memory_space<hbm>> -> memref<128x128xf32, #tpu.memory_space<hbm>>
        tpu.enqueue_dma source(%arg10 : memref<128x128xf32, #tpu.memory_space<vmem>>) target(%dma_start3A_35 : memref<128x128xf32, #tpu.memory_space<hbm>>) target_semaphore(%run_scoped3A : memref<!tpu.dma_semaphore, #tpu.memory_space<semaphore_mem>>)
        %dma_wait3A_36 = arith.constant 0 : i32
        %dma_wait3A_37 = tpu.memref_slice %arg5[%mul3A_21, %dma_wait3A_36] : memref<320000x128xf32, #tpu.memory_space<hbm>> -> memref<128x128xf32, #tpu.memory_space<hbm>>
        %dma_wait3A_38 = arith.constant 0 : i32
        %dma_wait3A_39 = tpu.memref_slice %arg5[%mul3A_21, %dma_wait3A_38] : memref<320000x128xf32, #tpu.memory_space<hbm>> -> memref<128x128xf32, #tpu.memory_space<hbm>>
        tpu.wait_dma2 semaphore(%run_scoped3A : memref<!tpu.dma_semaphore, #tpu.memory_space<semaphore_mem>>) src(%arg10 : memref<128x128xf32, #tpu.memory_space<vmem>>) dst(%dma_wait3A_39 : memref<128x128xf32, #tpu.memory_space<hbm>>)
        tpu.yield
      }) : () -> ()
      "tpu.region"() ({
        %run_scoped3A = tpu.sem_alloc : memref<!tpu.dma_semaphore, #tpu.memory_space<semaphore_mem>>
        %dma_start3A_32 = arith.constant 0 : i32
        %dma_start3A_33 = tpu.memref_slice %arg6[%mul3A_21, %dma_start3A_32] : memref<320000x128xf32, #tpu.memory_space<hbm>> -> memref<128x128xf32, #tpu.memory_space<hbm>>
        %dma_start3A_34 = arith.constant 0 : i32
        %dma_start3A_35 = tpu.memref_slice %arg6[%mul3A_21, %dma_start3A_34] : memref<320000x128xf32, #tpu.memory_space<hbm>> -> memref<128x128xf32, #tpu.memory_space<hbm>>
        tpu.enqueue_dma source(%arg11 : memref<128x128xf32, #tpu.memory_space<vmem>>) target(%dma_start3A_35 : memref<128x128xf32, #tpu.memory_space<hbm>>) target_semaphore(%run_scoped3A : memref<!tpu.dma_semaphore, #tpu.memory_space<semaphore_mem>>)
        %dma_wait3A_36 = arith.constant 0 : i32
        %dma_wait3A_37 = tpu.memref_slice %arg6[%mul3A_21, %dma_wait3A_36] : memref<320000x128xf32, #tpu.memory_space<hbm>> -> memref<128x128xf32, #tpu.memory_space<hbm>>
        %dma_wait3A_38 = arith.constant 0 : i32
        %dma_wait3A_39 = tpu.memref_slice %arg6[%mul3A_21, %dma_wait3A_38] : memref<320000x128xf32, #tpu.memory_space<hbm>> -> memref<128x128xf32, #tpu.memory_space<hbm>>
        tpu.wait_dma2 semaphore(%run_scoped3A : memref<!tpu.dma_semaphore, #tpu.memory_space<semaphore_mem>>) src(%arg11 : memref<128x128xf32, #tpu.memory_space<vmem>>) dst(%dma_wait3A_39 : memref<128x128xf32, #tpu.memory_space<hbm>>)
        tpu.yield
      }) : () -> ()
    }
    return
  }
}

#map = affine_map<(d0, d1) -> (0)>
#map1 = affine_map<(d0, d1) -> (0, 0)>
module attributes {stable_mosaic.version = 14 : i64} {
  func.func @_sc_scatter_body(%arg0: i32, %arg1: i32, %arg2: memref<320000xi32, #tpu.memory_space<hbm>>, %arg3: memref<320000xf32, #tpu.memory_space<hbm>>, %arg4: memref<320000xf32, #tpu.memory_space<hbm>>, %arg5: memref<320000xf32, #tpu.memory_space<hbm>>, %arg6: memref<30000xf32, #tpu.memory_space<hbm>>, %arg7: memref<2x30000xf32, #tpu.memory_space<hbm>>, %arg8: memref<30000xf32, #tpu.memory_space<vmem_shared>>, %arg9: memref<128xi32, #tpu.memory_space<vmem>>, %arg10: memref<128xi32, #tpu.memory_space<vmem>>, %arg11: memref<128xf32, #tpu.memory_space<vmem>>) attributes {dimension_semantics = [#tpu.dimension_semantics<core_parallel>, #tpu.dimension_semantics<subcore_parallel>], iteration_bounds = array<i64: 2, 16>, scalar_prefetch = 0 : i64, scratch_operands = 4 : i64, tpu.core_type = #tpu.core_type<sc_vector_subcore>, window_params = [{transform_indices = #map}, {transform_indices = #map}, {transform_indices = #map}, {transform_indices = #map}, {transform_indices = #map}, {transform_indices = #map1}]} {
    %mul3A = arith.constant 2 : i32
    %mul3A_0 = arith.muli %arg1, %mul3A : i32
    %add3A = arith.addi %mul3A_0, %arg0 : i32
    %eq3A = arith.constant 0 : i32
    %eq3A_1 = arith.cmpi eq, %arg1, %eq3A : i32
    %convert_element_type3A = arith.extui %eq3A_1 : i1 to i32
    %cond3A = arith.constant 0 : i32
    %cond3A_2 = arith.cmpi ne, %convert_element_type3A, %cond3A : i32
    scf.if %cond3A_2 {
      "tpu.region"() ({
        %run_scoped3A = tpu.sem_alloc : memref<!tpu.dma_semaphore, #tpu.memory_space<semaphore_mem>>
        tpu.enqueue_dma source(%arg6 : memref<30000xf32, #tpu.memory_space<hbm>>) target(%arg8 : memref<30000xf32, #tpu.memory_space<vmem_shared>>) target_semaphore(%run_scoped3A : memref<!tpu.dma_semaphore, #tpu.memory_space<semaphore_mem>>)
        tpu.wait_dma2 semaphore(%run_scoped3A : memref<!tpu.dma_semaphore, #tpu.memory_space<semaphore_mem>>) src(%arg6 : memref<30000xf32, #tpu.memory_space<hbm>>) dst(%arg8 : memref<30000xf32, #tpu.memory_space<vmem_shared>>)
        tpu.yield
      }) : () -> ()
    } else {
    }
    %barrier3A = arith.constant 0 : index
    tpu.barrier barrier_id(%barrier3A)
    %lt3A = arith.constant 4 : i32
    %lt3A_3 = arith.cmpi slt, %add3A, %lt3A : i32
    %jit3A = arith.constant 1 : i32
    %jit3A_4 = arith.constant 0 : i32
    %select_n3A = arith.select %lt3A_3, %jit3A, %jit3A_4 : i32
    %add3A_5 = arith.constant 78 : i32
    %add3A_6 = arith.addi %add3A_5, %select_n3A : i32
    %while3A = arith.constant 0 : i32
    %while3A_7 = arith.constant 0 : i32
    %while3A_8 = arith.subi %add3A_6, %while3A_7 : i32
    %while3A_9 = arith.addi %while3A_7, %while3A_8 : i32
    %while3A_10 = arith.constant 1 : i32
    %while3A_11 = arith.divsi %while3A_8, %while3A_10 : i32
    %while3A_12 = arith.muli %while3A_11, %while3A_10 : i32
    %while3A_13 = arith.addi %while3A_7, %while3A_12 : i32
    %while3A_14 = arith.constant 1 : i32
    scf.for %while3A_22 = %while3A_7 to %while3A_13 step %while3A_14  : i32 {
      %mul3A_23 = arith.constant 32 : i32
      %mul3A_24 = arith.muli %while3A_22, %mul3A_23 : i32
      %add3A_25 = arith.addi %mul3A_24, %add3A : i32
      %mul3A_26 = arith.constant 128 : i32
      %mul3A_27 = arith.muli %add3A_25, %mul3A_26 : i32
      "tpu.region"() ({
        %run_scoped3A = tpu.sem_alloc : memref<!tpu.dma_semaphore, #tpu.memory_space<semaphore_mem>>
        %dma_start3A = tpu.memref_slice %arg2[%mul3A_27] : memref<320000xi32, #tpu.memory_space<hbm>> -> memref<128xi32, #tpu.memory_space<hbm>>
        %dma_start3A_45 = tpu.memref_slice %arg2[%mul3A_27] : memref<320000xi32, #tpu.memory_space<hbm>> -> memref<128xi32, #tpu.memory_space<hbm>>
        tpu.enqueue_dma source(%dma_start3A_45 : memref<128xi32, #tpu.memory_space<hbm>>) target(%arg9 : memref<128xi32, #tpu.memory_space<vmem>>) target_semaphore(%run_scoped3A : memref<!tpu.dma_semaphore, #tpu.memory_space<semaphore_mem>>)
        %dma_wait3A = tpu.memref_slice %arg2[%mul3A_27] : memref<320000xi32, #tpu.memory_space<hbm>> -> memref<128xi32, #tpu.memory_space<hbm>>
        %dma_wait3A_46 = tpu.memref_slice %arg2[%mul3A_27] : memref<320000xi32, #tpu.memory_space<hbm>> -> memref<128xi32, #tpu.memory_space<hbm>>
        tpu.wait_dma2 semaphore(%run_scoped3A : memref<!tpu.dma_semaphore, #tpu.memory_space<semaphore_mem>>) src(%dma_wait3A_46 : memref<128xi32, #tpu.memory_space<hbm>>) dst(%arg9 : memref<128xi32, #tpu.memory_space<vmem>>)
        tpu.yield
      }) : () -> ()
      %scan3A = arith.constant 0 : i32
      %scan3A_28 = arith.constant 0 : i32
      %scan3A_29 = arith.constant 8 : i32
      %scan3A_30 = arith.addi %scan3A_28, %scan3A_29 : i32
      %scan3A_31 = arith.constant 1 : i32
      scf.for %scan3A_45 = %scan3A_28 to %scan3A_30 step %scan3A_31  : i32 {
        %mul3A_46 = arith.constant 16 : i32
        %mul3A_47 = arith.muli %scan3A_45, %mul3A_46 : i32
        %get3A = arith.index_cast %mul3A_47 : i32 to index
        %get3A_48 = tpu.vector_load %arg9[%get3A] {strides = array<i32>} : memref<128xi32, #tpu.memory_space<vmem>>, vector<16xi32>,
        %get3A_49 = vector.shape_cast %get3A_48 : vector<16xi32> to vector<16xi32>
        %mul3A_50 = arith.constant 3 : i32
        %mul3A_51 = vector.broadcast %mul3A_50 : i32 to vector<16xi32>
        %mul3A_52 = arith.muli %get3A_49, %mul3A_51 : vector<16xi32>
        %add3A_53 = arith.constant 0 : i32
        %add3A_54 = vector.broadcast %add3A_53 : i32 to vector<16xi32>
        %add3A_55 = arith.addi %mul3A_52, %add3A_54 : vector<16xi32>
        %mul3A_56 = arith.constant 16 : i32
        %mul3A_57 = arith.muli %scan3A_45, %mul3A_56 : i32
        %swap3A = arith.index_cast %mul3A_57 : i32 to index
        %swap3A_58 = tpu.vector_load %arg10[%swap3A] {strides = array<i32>} : memref<128xi32, #tpu.memory_space<vmem>>, vector<16xi32>,
        %swap3A_59 = vector.shape_cast %swap3A_58 : vector<16xi32> to vector<16xi32>
        %swap3A_60 = vector.shape_cast %add3A_55 : vector<16xi32> to vector<16xi32>
        tpu.vector_store %arg10[%swap3A], %swap3A_60 {strides = array<i32>} : memref<128xi32, #tpu.memory_space<vmem>>, vector<16xi32>,
      }
      %scan3A_32 = arith.constant 8 : i32
      "tpu.region"() ({
        %run_scoped3A = tpu.sem_alloc : memref<!tpu.dma_semaphore, #tpu.memory_space<semaphore_mem>>
        %dma_start3A = tpu.memref_slice %arg3[%mul3A_27] : memref<320000xf32, #tpu.memory_space<hbm>> -> memref<128xf32, #tpu.memory_space<hbm>>
        %dma_start3A_45 = tpu.memref_slice %arg3[%mul3A_27] : memref<320000xf32, #tpu.memory_space<hbm>> -> memref<128xf32, #tpu.memory_space<hbm>>
        tpu.enqueue_dma source(%dma_start3A_45 : memref<128xf32, #tpu.memory_space<hbm>>) target(%arg11 : memref<128xf32, #tpu.memory_space<vmem>>) target_semaphore(%run_scoped3A : memref<!tpu.dma_semaphore, #tpu.memory_space<semaphore_mem>>)
        %dma_wait3A = tpu.memref_slice %arg3[%mul3A_27] : memref<320000xf32, #tpu.memory_space<hbm>> -> memref<128xf32, #tpu.memory_space<hbm>>
        %dma_wait3A_46 = tpu.memref_slice %arg3[%mul3A_27] : memref<320000xf32, #tpu.memory_space<hbm>> -> memref<128xf32, #tpu.memory_space<hbm>>
        tpu.wait_dma2 semaphore(%run_scoped3A : memref<!tpu.dma_semaphore, #tpu.memory_space<semaphore_mem>>) src(%dma_wait3A_46 : memref<128xf32, #tpu.memory_space<hbm>>) dst(%arg11 : memref<128xf32, #tpu.memory_space<vmem>>)
        tpu.yield
      }) : () -> ()
      "tpu.region"() ({
        %run_scoped3A = tpu.sem_alloc : memref<!tpu.dma_semaphore, #tpu.memory_space<semaphore_mem>>
        %dma_start3A = arith.constant 0 : i32
        %dma_start3A_45 = tpu.memref_slice %arg8[%dma_start3A] : memref<30000xf32, #tpu.memory_space<vmem_shared>> -> memref<30000xf32, #tpu.memory_space<vmem_shared>>
        tpu.enqueue_indirect_dma source(%arg11 : memref<128xf32, #tpu.memory_space<vmem>>) target(%dma_start3A_45 : memref<30000xf32, #tpu.memory_space<vmem_shared>>) offsets(%arg10 : memref<128xi32, #tpu.memory_space<vmem>>) semaphore(%run_scoped3A : memref<!tpu.dma_semaphore, #tpu.memory_space<semaphore_mem>>) {add = true}
        %dma_wait3A = arith.constant 0 : i32
        %dma_wait3A_46 = tpu.memref_slice %arg8[%dma_wait3A] : memref<30000xf32, #tpu.memory_space<vmem_shared>> -> memref<30000xf32, #tpu.memory_space<vmem_shared>>
        tpu.wait_indirect_dma semaphore(%run_scoped3A : memref<!tpu.dma_semaphore, #tpu.memory_space<semaphore_mem>>) src(%arg11 : memref<128xf32, #tpu.memory_space<vmem>>) dst(%dma_wait3A_46 : memref<30000xf32, #tpu.memory_space<vmem_shared>>)
        tpu.yield
      }) : () -> ()
      %scan3A_33 = arith.constant 0 : i32
      %scan3A_34 = arith.constant 0 : i32
      %scan3A_35 = arith.constant 8 : i32
      %scan3A_36 = arith.addi %scan3A_34, %scan3A_35 : i32
      %scan3A_37 = arith.constant 1 : i32
      scf.for %scan3A_45 = %scan3A_34 to %scan3A_36 step %scan3A_37  : i32 {
        %mul3A_46 = arith.constant 16 : i32
        %mul3A_47 = arith.muli %scan3A_45, %mul3A_46 : i32
        %get3A = arith.index_cast %mul3A_47 : i32 to index
        %get3A_48 = tpu.vector_load %arg9[%get3A] {strides = array<i32>} : memref<128xi32, #tpu.memory_space<vmem>>, vector<16xi32>,
        %get3A_49 = vector.shape_cast %get3A_48 : vector<16xi32> to vector<16xi32>
        %mul3A_50 = arith.constant 3 : i32
        %mul3A_51 = vector.broadcast %mul3A_50 : i32 to vector<16xi32>
        %mul3A_52 = arith.muli %get3A_49, %mul3A_51 : vector<16xi32>
        %add3A_53 = arith.constant 1 : i32
        %add3A_54 = vector.broadcast %add3A_53 : i32 to vector<16xi32>
        %add3A_55 = arith.addi %mul3A_52, %add3A_54 : vector<16xi32>
        %mul3A_56 = arith.constant 16 : i32
        %mul3A_57 = arith.muli %scan3A_45, %mul3A_56 : i32
        %swap3A = arith.index_cast %mul3A_57 : i32 to index
        %swap3A_58 = tpu.vector_load %arg10[%swap3A] {strides = array<i32>} : memref<128xi32, #tpu.memory_space<vmem>>, vector<16xi32>,
        %swap3A_59 = vector.shape_cast %swap3A_58 : vector<16xi32> to vector<16xi32>
        %swap3A_60 = vector.shape_cast %add3A_55 : vector<16xi32> to vector<16xi32>
        tpu.vector_store %arg10[%swap3A], %swap3A_60 {strides = array<i32>} : memref<128xi32, #tpu.memory_space<vmem>>, vector<16xi32>,
      }
      %scan3A_38 = arith.constant 8 : i32
      "tpu.region"() ({
        %run_scoped3A = tpu.sem_alloc : memref<!tpu.dma_semaphore, #tpu.memory_space<semaphore_mem>>
        %dma_start3A = tpu.memref_slice %arg4[%mul3A_27] : memref<320000xf32, #tpu.memory_space<hbm>> -> memref<128xf32, #tpu.memory_space<hbm>>
        %dma_start3A_45 = tpu.memref_slice %arg4[%mul3A_27] : memref<320000xf32, #tpu.memory_space<hbm>> -> memref<128xf32, #tpu.memory_space<hbm>>
        tpu.enqueue_dma source(%dma_start3A_45 : memref<128xf32, #tpu.memory_space<hbm>>) target(%arg11 : memref<128xf32, #tpu.memory_space<vmem>>) target_semaphore(%run_scoped3A : memref<!tpu.dma_semaphore, #tpu.memory_space<semaphore_mem>>)
        %dma_wait3A = tpu.memref_slice %arg4[%mul3A_27] : memref<320000xf32, #tpu.memory_space<hbm>> -> memref<128xf32, #tpu.memory_space<hbm>>
        %dma_wait3A_46 = tpu.memref_slice %arg4[%mul3A_27] : memref<320000xf32, #tpu.memory_space<hbm>> -> memref<128xf32, #tpu.memory_space<hbm>>
        tpu.wait_dma2 semaphore(%run_scoped3A : memref<!tpu.dma_semaphore, #tpu.memory_space<semaphore_mem>>) src(%dma_wait3A_46 : memref<128xf32, #tpu.memory_space<hbm>>) dst(%arg11 : memref<128xf32, #tpu.memory_space<vmem>>)
        tpu.yield
      }) : () -> ()
      "tpu.region"() ({
        %run_scoped3A = tpu.sem_alloc : memref<!tpu.dma_semaphore, #tpu.memory_space<semaphore_mem>>
        %dma_start3A = arith.constant 0 : i32
        %dma_start3A_45 = tpu.memref_slice %arg8[%dma_start3A] : memref<30000xf32, #tpu.memory_space<vmem_shared>> -> memref<30000xf32, #tpu.memory_space<vmem_shared>>
        tpu.enqueue_indirect_dma source(%arg11 : memref<128xf32, #tpu.memory_space<vmem>>) target(%dma_start3A_45 : memref<30000xf32, #tpu.memory_space<vmem_shared>>) offsets(%arg10 : memref<128xi32, #tpu.memory_space<vmem>>) semaphore(%run_scoped3A : memref<!tpu.dma_semaphore, #tpu.memory_space<semaphore_mem>>) {add = true}
        %dma_wait3A = arith.constant 0 : i32
        %dma_wait3A_46 = tpu.memref_slice %arg8[%dma_wait3A] : memref<30000xf32, #tpu.memory_space<vmem_shared>> -> memref<30000xf32, #tpu.memory_space<vmem_shared>>
        tpu.wait_indirect_dma semaphore(%run_scoped3A : memref<!tpu.dma_semaphore, #tpu.memory_space<semaphore_mem>>) src(%arg11 : memref<128xf32, #tpu.memory_space<vmem>>) dst(%dma_wait3A_46 : memref<30000xf32, #tpu.memory_space<vmem_shared>>)
        tpu.yield
      }) : () -> ()
      %scan3A_39 = arith.constant 0 : i32
      %scan3A_40 = arith.constant 0 : i32
      %scan3A_41 = arith.constant 8 : i32
      %scan3A_42 = arith.addi %scan3A_40, %scan3A_41 : i32
      %scan3A_43 = arith.constant 1 : i32
      scf.for %scan3A_45 = %scan3A_40 to %scan3A_42 step %scan3A_43  : i32 {
        %mul3A_46 = arith.constant 16 : i32
        %mul3A_47 = arith.muli %scan3A_45, %mul3A_46 : i32
        %get3A = arith.index_cast %mul3A_47 : i32 to index
        %get3A_48 = tpu.vector_load %arg9[%get3A] {strides = array<i32>} : memref<128xi32, #tpu.memory_space<vmem>>, vector<16xi32>,
        %get3A_49 = vector.shape_cast %get3A_48 : vector<16xi32> to vector<16xi32>
        %mul3A_50 = arith.constant 3 : i32
        %mul3A_51 = vector.broadcast %mul3A_50 : i32 to vector<16xi32>
        %mul3A_52 = arith.muli %get3A_49, %mul3A_51 : vector<16xi32>
        %add3A_53 = arith.constant 2 : i32
        %add3A_54 = vector.broadcast %add3A_53 : i32 to vector<16xi32>
        %add3A_55 = arith.addi %mul3A_52, %add3A_54 : vector<16xi32>
        %mul3A_56 = arith.constant 16 : i32
        %mul3A_57 = arith.muli %scan3A_45, %mul3A_56 : i32
        %swap3A = arith.index_cast %mul3A_57 : i32 to index
        %swap3A_58 = tpu.vector_load %arg10[%swap3A] {strides = array<i32>} : memref<128xi32, #tpu.memory_space<vmem>>, vector<16xi32>,
        %swap3A_59 = vector.shape_cast %swap3A_58 : vector<16xi32> to vector<16xi32>
        %swap3A_60 = vector.shape_cast %add3A_55 : vector<16xi32> to vector<16xi32>
        tpu.vector_store %arg10[%swap3A], %swap3A_60 {strides = array<i32>} : memref<128xi32, #tpu.memory_space<vmem>>, vector<16xi32>,
      }
      %scan3A_44 = arith.constant 8 : i32
      "tpu.region"() ({
        %run_scoped3A = tpu.sem_alloc : memref<!tpu.dma_semaphore, #tpu.memory_space<semaphore_mem>>
        %dma_start3A = tpu.memref_slice %arg5[%mul3A_27] : memref<320000xf32, #tpu.memory_space<hbm>> -> memref<128xf32, #tpu.memory_space<hbm>>
        %dma_start3A_45 = tpu.memref_slice %arg5[%mul3A_27] : memref<320000xf32, #tpu.memory_space<hbm>> -> memref<128xf32, #tpu.memory_space<hbm>>
        tpu.enqueue_dma source(%dma_start3A_45 : memref<128xf32, #tpu.memory_space<hbm>>) target(%arg11 : memref<128xf32, #tpu.memory_space<vmem>>) target_semaphore(%run_scoped3A : memref<!tpu.dma_semaphore, #tpu.memory_space<semaphore_mem>>)
        %dma_wait3A = tpu.memref_slice %arg5[%mul3A_27] : memref<320000xf32, #tpu.memory_space<hbm>> -> memref<128xf32, #tpu.memory_space<hbm>>
        %dma_wait3A_46 = tpu.memref_slice %arg5[%mul3A_27] : memref<320000xf32, #tpu.memory_space<hbm>> -> memref<128xf32, #tpu.memory_space<hbm>>
        tpu.wait_dma2 semaphore(%run_scoped3A : memref<!tpu.dma_semaphore, #tpu.memory_space<semaphore_mem>>) src(%dma_wait3A_46 : memref<128xf32, #tpu.memory_space<hbm>>) dst(%arg11 : memref<128xf32, #tpu.memory_space<vmem>>)
        tpu.yield
      }) : () -> ()
      "tpu.region"() ({
        %run_scoped3A = tpu.sem_alloc : memref<!tpu.dma_semaphore, #tpu.memory_space<semaphore_mem>>
        %dma_start3A = arith.constant 0 : i32
        %dma_start3A_45 = tpu.memref_slice %arg8[%dma_start3A] : memref<30000xf32, #tpu.memory_space<vmem_shared>> -> memref<30000xf32, #tpu.memory_space<vmem_shared>>
        tpu.enqueue_indirect_dma source(%arg11 : memref<128xf32, #tpu.memory_space<vmem>>) target(%dma_start3A_45 : memref<30000xf32, #tpu.memory_space<vmem_shared>>) offsets(%arg10 : memref<128xi32, #tpu.memory_space<vmem>>) semaphore(%run_scoped3A : memref<!tpu.dma_semaphore, #tpu.memory_space<semaphore_mem>>) {add = true}
        %dma_wait3A = arith.constant 0 : i32
        %dma_wait3A_46 = tpu.memref_slice %arg8[%dma_wait3A] : memref<30000xf32, #tpu.memory_space<vmem_shared>> -> memref<30000xf32, #tpu.memory_space<vmem_shared>>
        tpu.wait_indirect_dma semaphore(%run_scoped3A : memref<!tpu.dma_semaphore, #tpu.memory_space<semaphore_mem>>) src(%arg11 : memref<128xf32, #tpu.memory_space<vmem>>) dst(%dma_wait3A_46 : memref<30000xf32, #tpu.memory_space<vmem_shared>>)
        tpu.yield
      }) : () -> ()
    }
    %while3A_15 = arith.constant 1 : i32
    scf.for %while3A_22 = %while3A_13 to %while3A_9 step %while3A_15  : i32 {
      %mul3A_23 = arith.constant 32 : i32
      %mul3A_24 = arith.muli %while3A_22, %mul3A_23 : i32
      %add3A_25 = arith.addi %mul3A_24, %add3A : i32
      %mul3A_26 = arith.constant 128 : i32
      %mul3A_27 = arith.muli %add3A_25, %mul3A_26 : i32
      "tpu.region"() ({
        %run_scoped3A = tpu.sem_alloc : memref<!tpu.dma_semaphore, #tpu.memory_space<semaphore_mem>>
        %dma_start3A = tpu.memref_slice %arg2[%mul3A_27] : memref<320000xi32, #tpu.memory_space<hbm>> -> memref<128xi32, #tpu.memory_space<hbm>>
        %dma_start3A_45 = tpu.memref_slice %arg2[%mul3A_27] : memref<320000xi32, #tpu.memory_space<hbm>> -> memref<128xi32, #tpu.memory_space<hbm>>
        tpu.enqueue_dma source(%dma_start3A_45 : memref<128xi32, #tpu.memory_space<hbm>>) target(%arg9 : memref<128xi32, #tpu.memory_space<vmem>>) target_semaphore(%run_scoped3A : memref<!tpu.dma_semaphore, #tpu.memory_space<semaphore_mem>>)
        %dma_wait3A = tpu.memref_slice %arg2[%mul3A_27] : memref<320000xi32, #tpu.memory_space<hbm>> -> memref<128xi32, #tpu.memory_space<hbm>>
        %dma_wait3A_46 = tpu.memref_slice %arg2[%mul3A_27] : memref<320000xi32, #tpu.memory_space<hbm>> -> memref<128xi32, #tpu.memory_space<hbm>>
        tpu.wait_dma2 semaphore(%run_scoped3A : memref<!tpu.dma_semaphore, #tpu.memory_space<semaphore_mem>>) src(%dma_wait3A_46 : memref<128xi32, #tpu.memory_space<hbm>>) dst(%arg9 : memref<128xi32, #tpu.memory_space<vmem>>)
        tpu.yield
      }) : () -> ()
      %scan3A = arith.constant 0 : i32
      %scan3A_28 = arith.constant 0 : i32
      %scan3A_29 = arith.constant 8 : i32
      %scan3A_30 = arith.addi %scan3A_28, %scan3A_29 : i32
      %scan3A_31 = arith.constant 1 : i32
      scf.for %scan3A_45 = %scan3A_28 to %scan3A_30 step %scan3A_31  : i32 {
        %mul3A_46 = arith.constant 16 : i32
        %mul3A_47 = arith.muli %scan3A_45, %mul3A_46 : i32
        %get3A = arith.index_cast %mul3A_47 : i32 to index
        %get3A_48 = tpu.vector_load %arg9[%get3A] {strides = array<i32>} : memref<128xi32, #tpu.memory_space<vmem>>, vector<16xi32>,
        %get3A_49 = vector.shape_cast %get3A_48 : vector<16xi32> to vector<16xi32>
        %mul3A_50 = arith.constant 3 : i32
        %mul3A_51 = vector.broadcast %mul3A_50 : i32 to vector<16xi32>
        %mul3A_52 = arith.muli %get3A_49, %mul3A_51 : vector<16xi32>
        %add3A_53 = arith.constant 0 : i32
        %add3A_54 = vector.broadcast %add3A_53 : i32 to vector<16xi32>
        %add3A_55 = arith.addi %mul3A_52, %add3A_54 : vector<16xi32>
        %mul3A_56 = arith.constant 16 : i32
        %mul3A_57 = arith.muli %scan3A_45, %mul3A_56 : i32
        %swap3A = arith.index_cast %mul3A_57 : i32 to index
        %swap3A_58 = tpu.vector_load %arg10[%swap3A] {strides = array<i32>} : memref<128xi32, #tpu.memory_space<vmem>>, vector<16xi32>,
        %swap3A_59 = vector.shape_cast %swap3A_58 : vector<16xi32> to vector<16xi32>
        %swap3A_60 = vector.shape_cast %add3A_55 : vector<16xi32> to vector<16xi32>
        tpu.vector_store %arg10[%swap3A], %swap3A_60 {strides = array<i32>} : memref<128xi32, #tpu.memory_space<vmem>>, vector<16xi32>,
      }
      %scan3A_32 = arith.constant 8 : i32
      "tpu.region"() ({
        %run_scoped3A = tpu.sem_alloc : memref<!tpu.dma_semaphore, #tpu.memory_space<semaphore_mem>>
        %dma_start3A = tpu.memref_slice %arg3[%mul3A_27] : memref<320000xf32, #tpu.memory_space<hbm>> -> memref<128xf32, #tpu.memory_space<hbm>>
        %dma_start3A_45 = tpu.memref_slice %arg3[%mul3A_27] : memref<320000xf32, #tpu.memory_space<hbm>> -> memref<128xf32, #tpu.memory_space<hbm>>
        tpu.enqueue_dma source(%dma_start3A_45 : memref<128xf32, #tpu.memory_space<hbm>>) target(%arg11 : memref<128xf32, #tpu.memory_space<vmem>>) target_semaphore(%run_scoped3A : memref<!tpu.dma_semaphore, #tpu.memory_space<semaphore_mem>>)
        %dma_wait3A = tpu.memref_slice %arg3[%mul3A_27] : memref<320000xf32, #tpu.memory_space<hbm>> -> memref<128xf32, #tpu.memory_space<hbm>>
        %dma_wait3A_46 = tpu.memref_slice %arg3[%mul3A_27] : memref<320000xf32, #tpu.memory_space<hbm>> -> memref<128xf32, #tpu.memory_space<hbm>>
        tpu.wait_dma2 semaphore(%run_scoped3A : memref<!tpu.dma_semaphore, #tpu.memory_space<semaphore_mem>>) src(%dma_wait3A_46 : memref<128xf32, #tpu.memory_space<hbm>>) dst(%arg11 : memref<128xf32, #tpu.memory_space<vmem>>)
        tpu.yield
      }) : () -> ()
      "tpu.region"() ({
        %run_scoped3A = tpu.sem_alloc : memref<!tpu.dma_semaphore, #tpu.memory_space<semaphore_mem>>
        %dma_start3A = arith.constant 0 : i32
        %dma_start3A_45 = tpu.memref_slice %arg8[%dma_start3A] : memref<30000xf32, #tpu.memory_space<vmem_shared>> -> memref<30000xf32, #tpu.memory_space<vmem_shared>>
        tpu.enqueue_indirect_dma source(%arg11 : memref<128xf32, #tpu.memory_space<vmem>>) target(%dma_start3A_45 : memref<30000xf32, #tpu.memory_space<vmem_shared>>) offsets(%arg10 : memref<128xi32, #tpu.memory_space<vmem>>) semaphore(%run_scoped3A : memref<!tpu.dma_semaphore, #tpu.memory_space<semaphore_mem>>) {add = true}
        %dma_wait3A = arith.constant 0 : i32
        %dma_wait3A_46 = tpu.memref_slice %arg8[%dma_wait3A] : memref<30000xf32, #tpu.memory_space<vmem_shared>> -> memref<30000xf32, #tpu.memory_space<vmem_shared>>
        tpu.wait_indirect_dma semaphore(%run_scoped3A : memref<!tpu.dma_semaphore, #tpu.memory_space<semaphore_mem>>) src(%arg11 : memref<128xf32, #tpu.memory_space<vmem>>) dst(%dma_wait3A_46 : memref<30000xf32, #tpu.memory_space<vmem_shared>>)
        tpu.yield
      }) : () -> ()
      %scan3A_33 = arith.constant 0 : i32
      %scan3A_34 = arith.constant 0 : i32
      %scan3A_35 = arith.constant 8 : i32
      %scan3A_36 = arith.addi %scan3A_34, %scan3A_35 : i32
      %scan3A_37 = arith.constant 1 : i32
      scf.for %scan3A_45 = %scan3A_34 to %scan3A_36 step %scan3A_37  : i32 {
        %mul3A_46 = arith.constant 16 : i32
        %mul3A_47 = arith.muli %scan3A_45, %mul3A_46 : i32
        %get3A = arith.index_cast %mul3A_47 : i32 to index
        %get3A_48 = tpu.vector_load %arg9[%get3A] {strides = array<i32>} : memref<128xi32, #tpu.memory_space<vmem>>, vector<16xi32>,
        %get3A_49 = vector.shape_cast %get3A_48 : vector<16xi32> to vector<16xi32>
        %mul3A_50 = arith.constant 3 : i32
        %mul3A_51 = vector.broadcast %mul3A_50 : i32 to vector<16xi32>
        %mul3A_52 = arith.muli %get3A_49, %mul3A_51 : vector<16xi32>
        %add3A_53 = arith.constant 1 : i32
        %add3A_54 = vector.broadcast %add3A_53 : i32 to vector<16xi32>
        %add3A_55 = arith.addi %mul3A_52, %add3A_54 : vector<16xi32>
        %mul3A_56 = arith.constant 16 : i32
        %mul3A_57 = arith.muli %scan3A_45, %mul3A_56 : i32
        %swap3A = arith.index_cast %mul3A_57 : i32 to index
        %swap3A_58 = tpu.vector_load %arg10[%swap3A] {strides = array<i32>} : memref<128xi32, #tpu.memory_space<vmem>>, vector<16xi32>,
        %swap3A_59 = vector.shape_cast %swap3A_58 : vector<16xi32> to vector<16xi32>
        %swap3A_60 = vector.shape_cast %add3A_55 : vector<16xi32> to vector<16xi32>
        tpu.vector_store %arg10[%swap3A], %swap3A_60 {strides = array<i32>} : memref<128xi32, #tpu.memory_space<vmem>>, vector<16xi32>,
      }
      %scan3A_38 = arith.constant 8 : i32
      "tpu.region"() ({
        %run_scoped3A = tpu.sem_alloc : memref<!tpu.dma_semaphore, #tpu.memory_space<semaphore_mem>>
        %dma_start3A = tpu.memref_slice %arg4[%mul3A_27] : memref<320000xf32, #tpu.memory_space<hbm>> -> memref<128xf32, #tpu.memory_space<hbm>>
        %dma_start3A_45 = tpu.memref_slice %arg4[%mul3A_27] : memref<320000xf32, #tpu.memory_space<hbm>> -> memref<128xf32, #tpu.memory_space<hbm>>
        tpu.enqueue_dma source(%dma_start3A_45 : memref<128xf32, #tpu.memory_space<hbm>>) target(%arg11 : memref<128xf32, #tpu.memory_space<vmem>>) target_semaphore(%run_scoped3A : memref<!tpu.dma_semaphore, #tpu.memory_space<semaphore_mem>>)
        %dma_wait3A = tpu.memref_slice %arg4[%mul3A_27] : memref<320000xf32, #tpu.memory_space<hbm>> -> memref<128xf32, #tpu.memory_space<hbm>>
        %dma_wait3A_46 = tpu.memref_slice %arg4[%mul3A_27] : memref<320000xf32, #tpu.memory_space<hbm>> -> memref<128xf32, #tpu.memory_space<hbm>>
        tpu.wait_dma2 semaphore(%run_scoped3A : memref<!tpu.dma_semaphore, #tpu.memory_space<semaphore_mem>>) src(%dma_wait3A_46 : memref<128xf32, #tpu.memory_space<hbm>>) dst(%arg11 : memref<128xf32, #tpu.memory_space<vmem>>)
        tpu.yield
      }) : () -> ()
      "tpu.region"() ({
        %run_scoped3A = tpu.sem_alloc : memref<!tpu.dma_semaphore, #tpu.memory_space<semaphore_mem>>
        %dma_start3A = arith.constant 0 : i32
        %dma_start3A_45 = tpu.memref_slice %arg8[%dma_start3A] : memref<30000xf32, #tpu.memory_space<vmem_shared>> -> memref<30000xf32, #tpu.memory_space<vmem_shared>>
        tpu.enqueue_indirect_dma source(%arg11 : memref<128xf32, #tpu.memory_space<vmem>>) target(%dma_start3A_45 : memref<30000xf32, #tpu.memory_space<vmem_shared>>) offsets(%arg10 : memref<128xi32, #tpu.memory_space<vmem>>) semaphore(%run_scoped3A : memref<!tpu.dma_semaphore, #tpu.memory_space<semaphore_mem>>) {add = true}
        %dma_wait3A = arith.constant 0 : i32
        %dma_wait3A_46 = tpu.memref_slice %arg8[%dma_wait3A] : memref<30000xf32, #tpu.memory_space<vmem_shared>> -> memref<30000xf32, #tpu.memory_space<vmem_shared>>
        tpu.wait_indirect_dma semaphore(%run_scoped3A : memref<!tpu.dma_semaphore, #tpu.memory_space<semaphore_mem>>) src(%arg11 : memref<128xf32, #tpu.memory_space<vmem>>) dst(%dma_wait3A_46 : memref<30000xf32, #tpu.memory_space<vmem_shared>>)
        tpu.yield
      }) : () -> ()
      %scan3A_39 = arith.constant 0 : i32
      %scan3A_40 = arith.constant 0 : i32
      %scan3A_41 = arith.constant 8 : i32
      %scan3A_42 = arith.addi %scan3A_40, %scan3A_41 : i32
      %scan3A_43 = arith.constant 1 : i32
      scf.for %scan3A_45 = %scan3A_40 to %scan3A_42 step %scan3A_43  : i32 {
        %mul3A_46 = arith.constant 16 : i32
        %mul3A_47 = arith.muli %scan3A_45, %mul3A_46 : i32
        %get3A = arith.index_cast %mul3A_47 : i32 to index
        %get3A_48 = tpu.vector_load %arg9[%get3A] {strides = array<i32>} : memref<128xi32, #tpu.memory_space<vmem>>, vector<16xi32>,
        %get3A_49 = vector.shape_cast %get3A_48 : vector<16xi32> to vector<16xi32>
        %mul3A_50 = arith.constant 3 : i32
        %mul3A_51 = vector.broadcast %mul3A_50 : i32 to vector<16xi32>
        %mul3A_52 = arith.muli %get3A_49, %mul3A_51 : vector<16xi32>
        %add3A_53 = arith.constant 2 : i32
        %add3A_54 = vector.broadcast %add3A_53 : i32 to vector<16xi32>
        %add3A_55 = arith.addi %mul3A_52, %add3A_54 : vector<16xi32>
        %mul3A_56 = arith.constant 16 : i32
        %mul3A_57 = arith.muli %scan3A_45, %mul3A_56 : i32
        %swap3A = arith.index_cast %mul3A_57 : i32 to index
        %swap3A_58 = tpu.vector_load %arg10[%swap3A] {strides = array<i32>} : memref<128xi32, #tpu.memory_space<vmem>>, vector<16xi32>,
        %swap3A_59 = vector.shape_cast %swap3A_58 : vector<16xi32> to vector<16xi32>
        %swap3A_60 = vector.shape_cast %add3A_55 : vector<16xi32> to vector<16xi32>
        tpu.vector_store %arg10[%swap3A], %swap3A_60 {strides = array<i32>} : memref<128xi32, #tpu.memory_space<vmem>>, vector<16xi32>,
      }
      %scan3A_44 = arith.constant 8 : i32
      "tpu.region"() ({
        %run_scoped3A = tpu.sem_alloc : memref<!tpu.dma_semaphore, #tpu.memory_space<semaphore_mem>>
        %dma_start3A = tpu.memref_slice %arg5[%mul3A_27] : memref<320000xf32, #tpu.memory_space<hbm>> -> memref<128xf32, #tpu.memory_space<hbm>>
        %dma_start3A_45 = tpu.memref_slice %arg5[%mul3A_27] : memref<320000xf32, #tpu.memory_space<hbm>> -> memref<128xf32, #tpu.memory_space<hbm>>
        tpu.enqueue_dma source(%dma_start3A_45 : memref<128xf32, #tpu.memory_space<hbm>>) target(%arg11 : memref<128xf32, #tpu.memory_space<vmem>>) target_semaphore(%run_scoped3A : memref<!tpu.dma_semaphore, #tpu.memory_space<semaphore_mem>>)
        %dma_wait3A = tpu.memref_slice %arg5[%mul3A_27] : memref<320000xf32, #tpu.memory_space<hbm>> -> memref<128xf32, #tpu.memory_space<hbm>>
        %dma_wait3A_46 = tpu.memref_slice %arg5[%mul3A_27] : memref<320000xf32, #tpu.memory_space<hbm>> -> memref<128xf32, #tpu.memory_space<hbm>>
        tpu.wait_dma2 semaphore(%run_scoped3A : memref<!tpu.dma_semaphore, #tpu.memory_space<semaphore_mem>>) src(%dma_wait3A_46 : memref<128xf32, #tpu.memory_space<hbm>>) dst(%arg11 : memref<128xf32, #tpu.memory_space<vmem>>)
        tpu.yield
      }) : () -> ()
      "tpu.region"() ({
        %run_scoped3A = tpu.sem_alloc : memref<!tpu.dma_semaphore, #tpu.memory_space<semaphore_mem>>
        %dma_start3A = arith.constant 0 : i32
        %dma_start3A_45 = tpu.memref_slice %arg8[%dma_start3A] : memref<30000xf32, #tpu.memory_space<vmem_shared>> -> memref<30000xf32, #tpu.memory_space<vmem_shared>>
        tpu.enqueue_indirect_dma source(%arg11 : memref<128xf32, #tpu.memory_space<vmem>>) target(%dma_start3A_45 : memref<30000xf32, #tpu.memory_space<vmem_shared>>) offsets(%arg10 : memref<128xi32, #tpu.memory_space<vmem>>) semaphore(%run_scoped3A : memref<!tpu.dma_semaphore, #tpu.memory_space<semaphore_mem>>) {add = true}
        %dma_wait3A = arith.constant 0 : i32
        %dma_wait3A_46 = tpu.memref_slice %arg8[%dma_wait3A] : memref<30000xf32, #tpu.memory_space<vmem_shared>> -> memref<30000xf32, #tpu.memory_space<vmem_shared>>
        tpu.wait_indirect_dma semaphore(%run_scoped3A : memref<!tpu.dma_semaphore, #tpu.memory_space<semaphore_mem>>) src(%arg11 : memref<128xf32, #tpu.memory_space<vmem>>) dst(%dma_wait3A_46 : memref<30000xf32, #tpu.memory_space<vmem_shared>>)
        tpu.yield
      }) : () -> ()
    }
    %barrier3A_16 = arith.constant 0 : index
    tpu.barrier barrier_id(%barrier3A_16)
    %eq3A_17 = arith.constant 0 : i32
    %eq3A_18 = arith.cmpi eq, %arg1, %eq3A_17 : i32
    %convert_element_type3A_19 = arith.extui %eq3A_18 : i1 to i32
    %cond3A_20 = arith.constant 0 : i32
    %cond3A_21 = arith.cmpi ne, %convert_element_type3A_19, %cond3A_20 : i32
    scf.if %cond3A_21 {
      "tpu.region"() ({
        %run_scoped3A = tpu.sem_alloc : memref<!tpu.dma_semaphore, #tpu.memory_space<semaphore_mem>>
        %dma_start3A = arith.constant 0 : i32
        %dma_start3A_22 = tpu.memref_slice %arg7[%arg0, %dma_start3A] : memref<2x30000xf32, #tpu.memory_space<hbm>> -> memref<1x30000xf32, #tpu.memory_space<hbm>>
        %dma_start3A_23 = tpu.memref_squeeze %dma_start3A_22 : memref<1x30000xf32, #tpu.memory_space<hbm>> -> memref<30000xf32, #tpu.memory_space<hbm>>
        tpu.enqueue_dma source(%arg8 : memref<30000xf32, #tpu.memory_space<vmem_shared>>) target(%dma_start3A_23 : memref<30000xf32, #tpu.memory_space<hbm>>) target_semaphore(%run_scoped3A : memref<!tpu.dma_semaphore, #tpu.memory_space<semaphore_mem>>)
        %dma_wait3A = arith.constant 0 : i32
        %dma_wait3A_24 = tpu.memref_slice %arg7[%arg0, %dma_wait3A] : memref<2x30000xf32, #tpu.memory_space<hbm>> -> memref<1x30000xf32, #tpu.memory_space<hbm>>
        %dma_wait3A_25 = tpu.memref_squeeze %dma_wait3A_24 : memref<1x30000xf32, #tpu.memory_space<hbm>> -> memref<30000xf32, #tpu.memory_space<hbm>>
        tpu.wait_dma2 semaphore(%run_scoped3A : memref<!tpu.dma_semaphore, #tpu.memory_space<semaphore_mem>>) src(%arg8 : memref<30000xf32, #tpu.memory_space<vmem_shared>>) dst(%dma_wait3A_25 : memref<30000xf32, #tpu.memory_space<hbm>>)
        tpu.yield
      }) : () -> ()
    } else {
    }
    return
  }
}

module attributes {stable_mosaic.version = 14 : i64} {
  func.func @_edge_body(%arg0: i32, %arg1: memref<1x3x1600xf32, #tpu.memory_space<vmem>>, %arg2: memref<1x3x1600xf32, #tpu.memory_space<vmem>>, %arg3: memref<1x3x1600xf32, #tpu.memory_space<vmem>>, %arg4: memref<1x3x1600xf32, #tpu.memory_space<vmem>>, %arg5: memref<1x1x1600xf32, #tpu.memory_space<vmem>>, %arg6: memref<1x3x1600xf32, #tpu.memory_space<vmem>>, %arg7: memref<1x3x1600xf32, #tpu.memory_space<vmem>>, %arg8: memref<1x3x1600xf32, #tpu.memory_space<vmem>>, %arg9: memref<1x3x1600xf32, #tpu.memory_space<vmem>>, %arg10: memref<1600x128xf32, #tpu.memory_space<vmem>>, %arg11: memref<1600x128xf32, #tpu.memory_space<vmem>>, %arg12: memref<6x128xf32, #tpu.memory_space<vmem>>, %arg13: memref<1x128xf32, #tpu.memory_space<vmem>>, %arg14: memref<128x128xf32, #tpu.memory_space<vmem>>, %arg15: memref<1x128xf32, #tpu.memory_space<vmem>>, %arg16: memref<1x128xf32, #tpu.memory_space<vmem>>, %arg17: memref<1x128xf32, #tpu.memory_space<vmem>>, %arg18: memref<2x128xf32, #tpu.memory_space<vmem>>, %arg19: memref<1x128xf32, #tpu.memory_space<vmem>>, %arg20: memref<128x128xf32, #tpu.memory_space<vmem>>, %arg21: memref<1x128xf32, #tpu.memory_space<vmem>>, %arg22: memref<1x128xf32, #tpu.memory_space<vmem>>, %arg23: memref<1x128xf32, #tpu.memory_space<vmem>>, %arg24: memref<128x128xf32, #tpu.memory_space<vmem>>, %arg25: memref<128x128xf32, #tpu.memory_space<vmem>>, %arg26: memref<128x128xf32, #tpu.memory_space<vmem>>, %arg27: memref<1x128xf32, #tpu.memory_space<vmem>>, %arg28: memref<128x128xf32, #tpu.memory_space<vmem>>, %arg29: memref<1x128xf32, #tpu.memory_space<vmem>>, %arg30: memref<1x128xf32, #tpu.memory_space<vmem>>, %arg31: memref<1x128xf32, #tpu.memory_space<vmem>>, %arg32: memref<128x128xf32, #tpu.memory_space<vmem>>, %arg33: memref<1x128xf32, #tpu.memory_space<vmem>>, %arg34: memref<3x128xf32, #tpu.memory_space<vmem>>, %arg35: memref<3x1xf32, #tpu.memory_space<vmem>>, %arg36: memref<1600x128xf32, #tpu.memory_space<vmem>>, %arg37: memref<1x3x1600xf32, #tpu.memory_space<vmem>>) attributes {dimension_semantics = [#tpu.dimension_semantics<arbitrary>], iteration_bounds = array<i64: 200>, scalar_prefetch = 0 : i64, scratch_operands = 0 : i64, tpu.core_type = #tpu.core_type<tc>, window_params = [{transform_indices = @transform_0, window_bounds = array<i64: 1, 3, 1600>}, {transform_indices = @transform_1, window_bounds = array<i64: 1, 3, 1600>}, {transform_indices = @transform_2, window_bounds = array<i64: 1, 3, 1600>}, {transform_indices = @transform_3, window_bounds = array<i64: 1, 3, 1600>}, {transform_indices = @transform_4, window_bounds = array<i64: 1, 1, 1600>}, {transform_indices = @transform_5, window_bounds = array<i64: 1, 3, 1600>}, {transform_indices = @transform_6, window_bounds = array<i64: 1, 3, 1600>}, {transform_indices = @transform_7, window_bounds = array<i64: 1, 3, 1600>}, {transform_indices = @transform_8, window_bounds = array<i64: 1, 3, 1600>}, {transform_indices = @transform_9, window_bounds = array<i64: 1600, 128>}, {transform_indices = @transform_10, window_bounds = array<i64: 1600, 128>}, {pipeline_mode = #tpu.pipeline_mode<synchronous>, transform_indices = @transform_11, window_bounds = array<i64: 6, 128>}, {pipeline_mode = #tpu.pipeline_mode<synchronous>, transform_indices = @transform_12, window_bounds = array<i64: 1, 128>}, {pipeline_mode = #tpu.pipeline_mode<synchronous>, transform_indices = @transform_13, window_bounds = array<i64: 128, 128>}, {pipeline_mode = #tpu.pipeline_mode<synchronous>, transform_indices = @transform_14, window_bounds = array<i64: 1, 128>}, {pipeline_mode = #tpu.pipeline_mode<synchronous>, transform_indices = @transform_15, window_bounds = array<i64: 1, 128>}, {pipeline_mode = #tpu.pipeline_mode<synchronous>, transform_indices = @transform_16, window_bounds = array<i64: 1, 128>}, {pipeline_mode = #tpu.pipeline_mode<synchronous>, transform_indices = @transform_17, window_bounds = array<i64: 2, 128>}, {pipeline_mode = #tpu.pipeline_mode<synchronous>, transform_indices = @transform_18, window_bounds = array<i64: 1, 128>}, {pipeline_mode = #tpu.pipeline_mode<synchronous>, transform_indices = @transform_19, window_bounds = array<i64: 128, 128>}, {pipeline_mode = #tpu.pipeline_mode<synchronous>, transform_indices = @transform_20, window_bounds = array<i64: 1, 128>}, {pipeline_mode = #tpu.pipeline_mode<synchronous>, transform_indices = @transform_21, window_bounds = array<i64: 1, 128>}, {pipeline_mode = #tpu.pipeline_mode<synchronous>, transform_indices = @transform_22, window_bounds = array<i64: 1, 128>}, {pipeline_mode = #tpu.pipeline_mode<synchronous>, transform_indices = @transform_23, window_bounds = array<i64: 128, 128>}, {pipeline_mode = #tpu.pipeline_mode<synchronous>, transform_indices = @transform_24, window_bounds = array<i64: 128, 128>}, {pipeline_mode = #tpu.pipeline_mode<synchronous>, transform_indices = @transform_25, window_bounds = array<i64: 128, 128>}, {pipeline_mode = #tpu.pipeline_mode<synchronous>, transform_indices = @transform_26, window_bounds = array<i64: 1, 128>}, {pipeline_mode = #tpu.pipeline_mode<synchronous>, transform_indices = @transform_27, window_bounds = array<i64: 128, 128>}, {pipeline_mode = #tpu.pipeline_mode<synchronous>, transform_indices = @transform_28, window_bounds = array<i64: 1, 128>}, {pipeline_mode = #tpu.pipeline_mode<synchronous>, transform_indices = @transform_29, window_bounds = array<i64: 1, 128>}, {pipeline_mode = #tpu.pipeline_mode<synchronous>, transform_indices = @transform_30, window_bounds = array<i64: 1, 128>}, {pipeline_mode = #tpu.pipeline_mode<synchronous>, transform_indices = @transform_31, window_bounds = array<i64: 128, 128>}, {pipeline_mode = #tpu.pipeline_mode<synchronous>, transform_indices = @transform_32, window_bounds = array<i64: 1, 128>}, {pipeline_mode = #tpu.pipeline_mode<synchronous>, transform_indices = @transform_33, window_bounds = array<i64: 3, 128>}, {pipeline_mode = #tpu.pipeline_mode<synchronous>, transform_indices = @transform_34, window_bounds = array<i64: 3, 1>}, {transform_indices = @transform_35, window_bounds = array<i64: 1600, 128>}, {transform_indices = @transform_36, window_bounds = array<i64: 1, 3, 1600>}]} {
    %get3A = arith.constant 0 : index
    %get3A_0 = arith.constant 0 : index
    %get3A_1 = arith.constant 0 : index
    %get3A_2 = vector.load %arg1[%get3A, %get3A_0, %get3A_1] : memref<1x3x1600xf32, #tpu.memory_space<vmem>>, vector<1x3x1600xf32>
    %get3A_3 = vector.shape_cast %get3A_2 : vector<1x3x1600xf32> to vector<3x1600xf32>
    %get3A_4 = arith.constant 0 : index
    %get3A_5 = arith.constant 0 : index
    %get3A_6 = arith.constant 0 : index
    %get3A_7 = vector.load %arg2[%get3A_4, %get3A_5, %get3A_6] : memref<1x3x1600xf32, #tpu.memory_space<vmem>>, vector<1x3x1600xf32>
    %get3A_8 = vector.shape_cast %get3A_7 : vector<1x3x1600xf32> to vector<3x1600xf32>
    %get3A_9 = arith.constant 0 : index
    %get3A_10 = arith.constant 0 : index
    %get3A_11 = arith.constant 0 : index
    %get3A_12 = vector.load %arg3[%get3A_9, %get3A_10, %get3A_11] : memref<1x3x1600xf32, #tpu.memory_space<vmem>>, vector<1x3x1600xf32>
    %get3A_13 = vector.shape_cast %get3A_12 : vector<1x3x1600xf32> to vector<3x1600xf32>
    %get3A_14 = arith.constant 0 : index
    %get3A_15 = arith.constant 0 : index
    %get3A_16 = arith.constant 0 : index
    %get3A_17 = vector.load %arg6[%get3A_14, %get3A_15, %get3A_16] : memref<1x3x1600xf32, #tpu.memory_space<vmem>>, vector<1x3x1600xf32>
    %get3A_18 = vector.shape_cast %get3A_17 : vector<1x3x1600xf32> to vector<3x1600xf32>
    %get3A_19 = arith.constant 0 : index
    %get3A_20 = arith.constant 0 : index
    %get3A_21 = arith.constant 0 : index
    %get3A_22 = vector.load %arg7[%get3A_19, %get3A_20, %get3A_21] : memref<1x3x1600xf32, #tpu.memory_space<vmem>>, vector<1x3x1600xf32>
    %get3A_23 = vector.shape_cast %get3A_22 : vector<1x3x1600xf32> to vector<3x1600xf32>
    %mul3A = arith.mulf %get3A_3, %get3A_18 : vector<3x1600xf32>
    %reduce_sum3A = arith.constant dense<0.000000e+00> : vector<1600xf32>
    %reduce_sum3A_24 = vector.multi_reduction <add>, %mul3A, %reduce_sum3A [0] : vector<3x1600xf32> to vector<1600xf32>
    %broadcast_in_dim3A = vector.shape_cast %reduce_sum3A_24 : vector<1600xf32> to vector<1x1600xf32>
    %mul3A_25 = arith.mulf %get3A_8, %get3A_18 : vector<3x1600xf32>
    %reduce_sum3A_26 = arith.constant dense<0.000000e+00> : vector<1600xf32>
    %reduce_sum3A_27 = vector.multi_reduction <add>, %mul3A_25, %reduce_sum3A_26 [0] : vector<3x1600xf32> to vector<1600xf32>
    %broadcast_in_dim3A_28 = vector.shape_cast %reduce_sum3A_27 : vector<1600xf32> to vector<1x1600xf32>
    %mul3A_29 = arith.mulf %get3A_13, %get3A_18 : vector<3x1600xf32>
    %reduce_sum3A_30 = arith.constant dense<0.000000e+00> : vector<1600xf32>
    %reduce_sum3A_31 = vector.multi_reduction <add>, %mul3A_29, %reduce_sum3A_30 [0] : vector<3x1600xf32> to vector<1600xf32>
    %broadcast_in_dim3A_32 = vector.shape_cast %reduce_sum3A_31 : vector<1600xf32> to vector<1x1600xf32>
    %mul3A_33 = arith.mulf %get3A_3, %get3A_23 : vector<3x1600xf32>
    %reduce_sum3A_34 = arith.constant dense<0.000000e+00> : vector<1600xf32>
    %reduce_sum3A_35 = vector.multi_reduction <add>, %mul3A_33, %reduce_sum3A_34 [0] : vector<3x1600xf32> to vector<1600xf32>
    %broadcast_in_dim3A_36 = vector.shape_cast %reduce_sum3A_35 : vector<1600xf32> to vector<1x1600xf32>
    %mul3A_37 = arith.mulf %get3A_8, %get3A_23 : vector<3x1600xf32>
    %reduce_sum3A_38 = arith.constant dense<0.000000e+00> : vector<1600xf32>
    %reduce_sum3A_39 = vector.multi_reduction <add>, %mul3A_37, %reduce_sum3A_38 [0] : vector<3x1600xf32> to vector<1600xf32>
    %broadcast_in_dim3A_40 = vector.shape_cast %reduce_sum3A_39 : vector<1600xf32> to vector<1x1600xf32>
    %mul3A_41 = arith.mulf %get3A_13, %get3A_23 : vector<3x1600xf32>
    %reduce_sum3A_42 = arith.constant dense<0.000000e+00> : vector<1600xf32>
    %reduce_sum3A_43 = vector.multi_reduction <add>, %mul3A_41, %reduce_sum3A_42 [0] : vector<3x1600xf32> to vector<1600xf32>
    %broadcast_in_dim3A_44 = vector.shape_cast %reduce_sum3A_43 : vector<1600xf32> to vector<1x1600xf32>
    %concatenate3A = tpu.concatenate %broadcast_in_dim3A, %broadcast_in_dim3A_28, %broadcast_in_dim3A_32, %broadcast_in_dim3A_36, %broadcast_in_dim3A_40, %broadcast_in_dim3A_44 in 0 : vector<1x1600xf32>, vector<1x1600xf32>, vector<1x1600xf32>, vector<1x1600xf32>, vector<1x1600xf32>, vector<1x1600xf32> -> vector<6x1600xf32>
    %get3A_45 = arith.constant 0 : index
    %get3A_46 = arith.constant 0 : index
    %get3A_47 = arith.constant 0 : index
    %get3A_48 = vector.load %arg8[%get3A_45, %get3A_46, %get3A_47] : memref<1x3x1600xf32, #tpu.memory_space<vmem>>, vector<1x3x1600xf32>
    %get3A_49 = vector.shape_cast %get3A_48 : vector<1x3x1600xf32> to vector<3x1600xf32>
    %get3A_50 = arith.constant 0 : index
    %get3A_51 = arith.constant 0 : index
    %get3A_52 = arith.constant 0 : index
    %get3A_53 = vector.load %arg9[%get3A_50, %get3A_51, %get3A_52] : memref<1x3x1600xf32, #tpu.memory_space<vmem>>, vector<1x3x1600xf32>
    %get3A_54 = vector.shape_cast %get3A_53 : vector<1x3x1600xf32> to vector<3x1600xf32>
    %mul3A_55 = arith.mulf %get3A_3, %get3A_49 : vector<3x1600xf32>
    %reduce_sum3A_56 = arith.constant dense<0.000000e+00> : vector<1600xf32>
    %reduce_sum3A_57 = vector.multi_reduction <add>, %mul3A_55, %reduce_sum3A_56 [0] : vector<3x1600xf32> to vector<1600xf32>
    %broadcast_in_dim3A_58 = vector.shape_cast %reduce_sum3A_57 : vector<1600xf32> to vector<1x1600xf32>
    %mul3A_59 = arith.mulf %get3A_8, %get3A_49 : vector<3x1600xf32>
    %reduce_sum3A_60 = arith.constant dense<0.000000e+00> : vector<1600xf32>
    %reduce_sum3A_61 = vector.multi_reduction <add>, %mul3A_59, %reduce_sum3A_60 [0] : vector<3x1600xf32> to vector<1600xf32>
    %broadcast_in_dim3A_62 = vector.shape_cast %reduce_sum3A_61 : vector<1600xf32> to vector<1x1600xf32>
    %mul3A_63 = arith.mulf %get3A_13, %get3A_49 : vector<3x1600xf32>
    %reduce_sum3A_64 = arith.constant dense<0.000000e+00> : vector<1600xf32>
    %reduce_sum3A_65 = vector.multi_reduction <add>, %mul3A_63, %reduce_sum3A_64 [0] : vector<3x1600xf32> to vector<1600xf32>
    %broadcast_in_dim3A_66 = vector.shape_cast %reduce_sum3A_65 : vector<1600xf32> to vector<1x1600xf32>
    %mul3A_67 = arith.mulf %get3A_3, %get3A_54 : vector<3x1600xf32>
    %reduce_sum3A_68 = arith.constant dense<0.000000e+00> : vector<1600xf32>
    %reduce_sum3A_69 = vector.multi_reduction <add>, %mul3A_67, %reduce_sum3A_68 [0] : vector<3x1600xf32> to vector<1600xf32>
    %broadcast_in_dim3A_70 = vector.shape_cast %reduce_sum3A_69 : vector<1600xf32> to vector<1x1600xf32>
    %mul3A_71 = arith.mulf %get3A_8, %get3A_54 : vector<3x1600xf32>
    %reduce_sum3A_72 = arith.constant dense<0.000000e+00> : vector<1600xf32>
    %reduce_sum3A_73 = vector.multi_reduction <add>, %mul3A_71, %reduce_sum3A_72 [0] : vector<3x1600xf32> to vector<1600xf32>
    %broadcast_in_dim3A_74 = vector.shape_cast %reduce_sum3A_73 : vector<1600xf32> to vector<1x1600xf32>
    %mul3A_75 = arith.mulf %get3A_13, %get3A_54 : vector<3x1600xf32>
    %reduce_sum3A_76 = arith.constant dense<0.000000e+00> : vector<1600xf32>
    %reduce_sum3A_77 = vector.multi_reduction <add>, %mul3A_75, %reduce_sum3A_76 [0] : vector<3x1600xf32> to vector<1600xf32>
    %broadcast_in_dim3A_78 = vector.shape_cast %reduce_sum3A_77 : vector<1600xf32> to vector<1x1600xf32>
    %concatenate3A_79 = tpu.concatenate %broadcast_in_dim3A_58, %broadcast_in_dim3A_62, %broadcast_in_dim3A_66, %broadcast_in_dim3A_70, %broadcast_in_dim3A_74, %broadcast_in_dim3A_78 in 0 : vector<1x1600xf32>, vector<1x1600xf32>, vector<1x1600xf32>, vector<1x1600xf32>, vector<1x1600xf32>, vector<1x1600xf32> -> vector<6x1600xf32>
    %get3A_80 = arith.constant 0 : index
    %get3A_81 = arith.constant 0 : index
    %get3A_82 = vector.load %arg12[%get3A_80, %get3A_81] : memref<6x128xf32, #tpu.memory_space<vmem>>, vector<6x128xf32>
    %dot_general3A = arith.constant dense<0.000000e+00> : vector<1600x128xf32>
    %dot_general3A_83 = tpu.matmul %concatenate3A, %get3A_82, %dot_general3A {dimension_numbers = #tpu.dot_dimension_numbers<[0], [0], [1], [1], [0, 1, 1, 1], [], []>, transpose_lhs_hint = false} : vector<6x1600xf32>, vector<6x128xf32>, vector<1600x128xf32> -> vector<1600x128xf32>
    %get3A_84 = arith.constant 0 : index
    %get3A_85 = arith.constant 0 : index
    %get3A_86 = vector.load %arg13[%get3A_84, %get3A_85] : memref<1x128xf32, #tpu.memory_space<vmem>>, vector<1x128xf32>
    %add3A = vector.broadcast %get3A_86 : vector<1x128xf32> to vector<1600x128xf32>
    %add3A_87 = arith.addf %dot_general3A_83, %add3A : vector<1600x128xf32>
    %max3A = arith.constant 0.000000e+00 : f32
    %max3A_88 = vector.broadcast %max3A : f32 to vector<1600x128xf32>
    %max3A_89 = arith.maximumf %add3A_87, %max3A_88 : vector<1600x128xf32>
    %get3A_90 = arith.constant 0 : index
    %get3A_91 = arith.constant 0 : index
    %get3A_92 = vector.load %arg12[%get3A_90, %get3A_91] : memref<6x128xf32, #tpu.memory_space<vmem>>, vector<6x128xf32>
    %dot_general3A_93 = arith.constant dense<0.000000e+00> : vector<1600x128xf32>
    %dot_general3A_94 = tpu.matmul %concatenate3A_79, %get3A_92, %dot_general3A_93 {dimension_numbers = #tpu.dot_dimension_numbers<[0], [0], [1], [1], [0, 1, 1, 1], [], []>, transpose_lhs_hint = false} : vector<6x1600xf32>, vector<6x128xf32>, vector<1600x128xf32> -> vector<1600x128xf32>
    %neg3A = arith.constant 0.000000e+00 : f32
    %neg3A_95 = vector.broadcast %neg3A : f32 to vector<1600x128xf32>
    %neg3A_96 = arith.subf %neg3A_95, %dot_general3A_94 : vector<1600x128xf32>
    %get3A_97 = arith.constant 0 : index
    %get3A_98 = arith.constant 0 : index
    %get3A_99 = vector.load %arg13[%get3A_97, %get3A_98] : memref<1x128xf32, #tpu.memory_space<vmem>>, vector<1x128xf32>
    %add3A_100 = vector.broadcast %get3A_99 : vector<1x128xf32> to vector<1600x128xf32>
    %add3A_101 = arith.addf %neg3A_96, %add3A_100 : vector<1600x128xf32>
    %max3A_102 = arith.constant 0.000000e+00 : f32
    %max3A_103 = vector.broadcast %max3A_102 : f32 to vector<1600x128xf32>
    %max3A_104 = arith.maximumf %add3A_101, %max3A_103 : vector<1600x128xf32>
    %get3A_105 = arith.constant 0 : index
    %get3A_106 = arith.constant 0 : index
    %get3A_107 = vector.load %arg14[%get3A_105, %get3A_106] : memref<128x128xf32, #tpu.memory_space<vmem>>, vector<128x128xf32>
    %dot_general3A_108 = arith.constant dense<0.000000e+00> : vector<1600x128xf32>
    %dot_general3A_109 = tpu.matmul %max3A_89, %get3A_107, %dot_general3A_108 {dimension_numbers = #tpu.dot_dimension_numbers<[1], [0], [0], [1], [0, 0, 1, 1], [], []>, transpose_lhs_hint = false} : vector<1600x128xf32>, vector<128x128xf32>, vector<1600x128xf32> -> vector<1600x128xf32>
    %get3A_110 = arith.constant 0 : index
    %get3A_111 = arith.constant 0 : index
    %get3A_112 = vector.load %arg15[%get3A_110, %get3A_111] : memref<1x128xf32, #tpu.memory_space<vmem>>, vector<1x128xf32>
    %add3A_113 = vector.broadcast %get3A_112 : vector<1x128xf32> to vector<1600x128xf32>
    %add3A_114 = arith.addf %dot_general3A_109, %add3A_113 : vector<1600x128xf32>
    %reduce_sum3A_115 = arith.constant dense<0.000000e+00> : vector<1600xf32>
    %reduce_sum3A_116 = vector.multi_reduction <add>, %add3A_114, %reduce_sum3A_115 [1] : vector<1600x128xf32> to vector<1600xf32>
    %broadcast_in_dim3A_117 = vector.shape_cast %reduce_sum3A_116 : vector<1600xf32> to vector<1600x1xf32>
    %div3A = arith.constant 1.280000e+02 : f32
    %div3A_118 = vector.broadcast %div3A : f32 to vector<1600x1xf32>
    %div3A_119 = arith.divf %broadcast_in_dim3A_117, %div3A_118 : vector<1600x1xf32>
    %sub3A = vector.broadcast %div3A_119 : vector<1600x1xf32> to vector<1600x128xf32>
    %sub3A_120 = arith.subf %add3A_114, %sub3A : vector<1600x128xf32>
    %mul3A_121 = arith.mulf %sub3A_120, %sub3A_120 : vector<1600x128xf32>
    %reduce_sum3A_122 = arith.constant dense<0.000000e+00> : vector<1600xf32>
    %reduce_sum3A_123 = vector.multi_reduction <add>, %mul3A_121, %reduce_sum3A_122 [1] : vector<1600x128xf32> to vector<1600xf32>
    %broadcast_in_dim3A_124 = vector.shape_cast %reduce_sum3A_123 : vector<1600xf32> to vector<1600x1xf32>
    %div3A_125 = arith.constant 1.280000e+02 : f32
    %div3A_126 = vector.broadcast %div3A_125 : f32 to vector<1600x1xf32>
    %div3A_127 = arith.divf %broadcast_in_dim3A_124, %div3A_126 : vector<1600x1xf32>
    %add3A_128 = arith.constant 9.99999974E-6 : f32
    %add3A_129 = vector.broadcast %add3A_128 : f32 to vector<1600x1xf32>
    %add3A_130 = arith.addf %div3A_127, %add3A_129 : vector<1600x1xf32>
    %rsqrt3A = math.rsqrt %add3A_130 : vector<1600x1xf32>
    %mul3A_131 = vector.broadcast %rsqrt3A : vector<1600x1xf32> to vector<1600x128xf32>
    %mul3A_132 = arith.mulf %sub3A_120, %mul3A_131 : vector<1600x128xf32>
    %get3A_133 = arith.constant 0 : index
    %get3A_134 = arith.constant 0 : index
    %get3A_135 = vector.load %arg16[%get3A_133, %get3A_134] : memref<1x128xf32, #tpu.memory_space<vmem>>, vector<1x128xf32>
    %mul3A_136 = vector.broadcast %get3A_135 : vector<1x128xf32> to vector<1600x128xf32>
    %mul3A_137 = arith.mulf %mul3A_132, %mul3A_136 : vector<1600x128xf32>
    %get3A_138 = arith.constant 0 : index
    %get3A_139 = arith.constant 0 : index
    %get3A_140 = vector.load %arg17[%get3A_138, %get3A_139] : memref<1x128xf32, #tpu.memory_space<vmem>>, vector<1x128xf32>
    %add3A_141 = vector.broadcast %get3A_140 : vector<1x128xf32> to vector<1600x128xf32>
    %add3A_142 = arith.addf %mul3A_137, %add3A_141 : vector<1600x128xf32>
    %get3A_143 = arith.constant 0 : index
    %get3A_144 = arith.constant 0 : index
    %get3A_145 = vector.load %arg14[%get3A_143, %get3A_144] : memref<128x128xf32, #tpu.memory_space<vmem>>, vector<128x128xf32>
    %dot_general3A_146 = arith.constant dense<0.000000e+00> : vector<1600x128xf32>
    %dot_general3A_147 = tpu.matmul %max3A_104, %get3A_145, %dot_general3A_146 {dimension_numbers = #tpu.dot_dimension_numbers<[1], [0], [0], [1], [0, 0, 1, 1], [], []>, transpose_lhs_hint = false} : vector<1600x128xf32>, vector<128x128xf32>, vector<1600x128xf32> -> vector<1600x128xf32>
    %get3A_148 = arith.constant 0 : index
    %get3A_149 = arith.constant 0 : index
    %get3A_150 = vector.load %arg15[%get3A_148, %get3A_149] : memref<1x128xf32, #tpu.memory_space<vmem>>, vector<1x128xf32>
    %add3A_151 = vector.broadcast %get3A_150 : vector<1x128xf32> to vector<1600x128xf32>
    %add3A_152 = arith.addf %dot_general3A_147, %add3A_151 : vector<1600x128xf32>
    %reduce_sum3A_153 = arith.constant dense<0.000000e+00> : vector<1600xf32>
    %reduce_sum3A_154 = vector.multi_reduction <add>, %add3A_152, %reduce_sum3A_153 [1] : vector<1600x128xf32> to vector<1600xf32>
    %broadcast_in_dim3A_155 = vector.shape_cast %reduce_sum3A_154 : vector<1600xf32> to vector<1600x1xf32>
    %div3A_156 = arith.constant 1.280000e+02 : f32
    %div3A_157 = vector.broadcast %div3A_156 : f32 to vector<1600x1xf32>
    %div3A_158 = arith.divf %broadcast_in_dim3A_155, %div3A_157 : vector<1600x1xf32>
    %sub3A_159 = vector.broadcast %div3A_158 : vector<1600x1xf32> to vector<1600x128xf32>
    %sub3A_160 = arith.subf %add3A_152, %sub3A_159 : vector<1600x128xf32>
    %mul3A_161 = arith.mulf %sub3A_160, %sub3A_160 : vector<1600x128xf32>
    %reduce_sum3A_162 = arith.constant dense<0.000000e+00> : vector<1600xf32>
    %reduce_sum3A_163 = vector.multi_reduction <add>, %mul3A_161, %reduce_sum3A_162 [1] : vector<1600x128xf32> to vector<1600xf32>
    %broadcast_in_dim3A_164 = vector.shape_cast %reduce_sum3A_163 : vector<1600xf32> to vector<1600x1xf32>
    %div3A_165 = arith.constant 1.280000e+02 : f32
    %div3A_166 = vector.broadcast %div3A_165 : f32 to vector<1600x1xf32>
    %div3A_167 = arith.divf %broadcast_in_dim3A_164, %div3A_166 : vector<1600x1xf32>
    %add3A_168 = arith.constant 9.99999974E-6 : f32
    %add3A_169 = vector.broadcast %add3A_168 : f32 to vector<1600x1xf32>
    %add3A_170 = arith.addf %div3A_167, %add3A_169 : vector<1600x1xf32>
    %rsqrt3A_171 = math.rsqrt %add3A_170 : vector<1600x1xf32>
    %mul3A_172 = vector.broadcast %rsqrt3A_171 : vector<1600x1xf32> to vector<1600x128xf32>
    %mul3A_173 = arith.mulf %sub3A_160, %mul3A_172 : vector<1600x128xf32>
    %get3A_174 = arith.constant 0 : index
    %get3A_175 = arith.constant 0 : index
    %get3A_176 = vector.load %arg16[%get3A_174, %get3A_175] : memref<1x128xf32, #tpu.memory_space<vmem>>, vector<1x128xf32>
    %mul3A_177 = vector.broadcast %get3A_176 : vector<1x128xf32> to vector<1600x128xf32>
    %mul3A_178 = arith.mulf %mul3A_173, %mul3A_177 : vector<1600x128xf32>
    %get3A_179 = arith.constant 0 : index
    %get3A_180 = arith.constant 0 : index
    %get3A_181 = vector.load %arg17[%get3A_179, %get3A_180] : memref<1x128xf32, #tpu.memory_space<vmem>>, vector<1x128xf32>
    %add3A_182 = vector.broadcast %get3A_181 : vector<1x128xf32> to vector<1600x128xf32>
    %add3A_183 = arith.addf %mul3A_178, %add3A_182 : vector<1600x128xf32>
    %get3A_184 = arith.constant 0 : index
    %get3A_185 = arith.constant 0 : index
    %get3A_186 = arith.constant 0 : index
    %get3A_187 = vector.load %arg4[%get3A_184, %get3A_185, %get3A_186] : memref<1x3x1600xf32, #tpu.memory_space<vmem>>, vector<1x3x1600xf32>
    %get3A_188 = vector.shape_cast %get3A_187 : vector<1x3x1600xf32> to vector<3x1600xf32>
    %mul3A_189 = arith.mulf %get3A_188, %get3A_188 : vector<3x1600xf32>
    %reduce_sum3A_190 = arith.constant dense<0.000000e+00> : vector<1600xf32>
    %reduce_sum3A_191 = vector.multi_reduction <add>, %mul3A_189, %reduce_sum3A_190 [0] : vector<3x1600xf32> to vector<1600xf32>
    %broadcast_in_dim3A_192 = vector.shape_cast %reduce_sum3A_191 : vector<1600xf32> to vector<1x1600xf32>
    %sqrt3A = math.sqrt %broadcast_in_dim3A_192 : vector<1x1600xf32>
    %get3A_193 = arith.constant 0 : index
    %get3A_194 = arith.constant 0 : index
    %get3A_195 = arith.constant 0 : index
    %get3A_196 = vector.load %arg5[%get3A_193, %get3A_194, %get3A_195] : memref<1x1x1600xf32, #tpu.memory_space<vmem>>, vector<1x1x1600xf32>
    %get3A_197 = vector.shape_cast %get3A_196 : vector<1x1x1600xf32> to vector<1x1600xf32>
    %concatenate3A_198 = tpu.concatenate %sqrt3A, %get3A_197 in 0 : vector<1x1600xf32>, vector<1x1600xf32> -> vector<2x1600xf32>
    %get3A_199 = arith.constant 0 : index
    %get3A_200 = arith.constant 0 : index
    %get3A_201 = vector.load %arg18[%get3A_199, %get3A_200] : memref<2x128xf32, #tpu.memory_space<vmem>>, vector<2x128xf32>
    %dot_general3A_202 = arith.constant dense<0.000000e+00> : vector<1600x128xf32>
    %dot_general3A_203 = tpu.matmul %concatenate3A_198, %get3A_201, %dot_general3A_202 {dimension_numbers = #tpu.dot_dimension_numbers<[0], [0], [1], [1], [0, 1, 1, 1], [], []>, transpose_lhs_hint = false} : vector<2x1600xf32>, vector<2x128xf32>, vector<1600x128xf32> -> vector<1600x128xf32>
    %get3A_204 = arith.constant 0 : index
    %get3A_205 = arith.constant 0 : index
    %get3A_206 = vector.load %arg19[%get3A_204, %get3A_205] : memref<1x128xf32, #tpu.memory_space<vmem>>, vector<1x128xf32>
    %add3A_207 = vector.broadcast %get3A_206 : vector<1x128xf32> to vector<1600x128xf32>
    %add3A_208 = arith.addf %dot_general3A_203, %add3A_207 : vector<1600x128xf32>
    %max3A_209 = arith.constant 0.000000e+00 : f32
    %max3A_210 = vector.broadcast %max3A_209 : f32 to vector<1600x128xf32>
    %max3A_211 = arith.maximumf %add3A_208, %max3A_210 : vector<1600x128xf32>
    %get3A_212 = arith.constant 0 : index
    %get3A_213 = arith.constant 0 : index
    %get3A_214 = vector.load %arg20[%get3A_212, %get3A_213] : memref<128x128xf32, #tpu.memory_space<vmem>>, vector<128x128xf32>
    %dot_general3A_215 = arith.constant dense<0.000000e+00> : vector<1600x128xf32>
    %dot_general3A_216 = tpu.matmul %max3A_211, %get3A_214, %dot_general3A_215 {dimension_numbers = #tpu.dot_dimension_numbers<[1], [0], [0], [1], [0, 0, 1, 1], [], []>, transpose_lhs_hint = false} : vector<1600x128xf32>, vector<128x128xf32>, vector<1600x128xf32> -> vector<1600x128xf32>
    %get3A_217 = arith.constant 0 : index
    %get3A_218 = arith.constant 0 : index
    %get3A_219 = vector.load %arg21[%get3A_217, %get3A_218] : memref<1x128xf32, #tpu.memory_space<vmem>>, vector<1x128xf32>
    %add3A_220 = vector.broadcast %get3A_219 : vector<1x128xf32> to vector<1600x128xf32>
    %add3A_221 = arith.addf %dot_general3A_216, %add3A_220 : vector<1600x128xf32>
    %reduce_sum3A_222 = arith.constant dense<0.000000e+00> : vector<1600xf32>
    %reduce_sum3A_223 = vector.multi_reduction <add>, %add3A_221, %reduce_sum3A_222 [1] : vector<1600x128xf32> to vector<1600xf32>
    %broadcast_in_dim3A_224 = vector.shape_cast %reduce_sum3A_223 : vector<1600xf32> to vector<1600x1xf32>
    %div3A_225 = arith.constant 1.280000e+02 : f32
    %div3A_226 = vector.broadcast %div3A_225 : f32 to vector<1600x1xf32>
    %div3A_227 = arith.divf %broadcast_in_dim3A_224, %div3A_226 : vector<1600x1xf32>
    %sub3A_228 = vector.broadcast %div3A_227 : vector<1600x1xf32> to vector<1600x128xf32>
    %sub3A_229 = arith.subf %add3A_221, %sub3A_228 : vector<1600x128xf32>
    %mul3A_230 = arith.mulf %sub3A_229, %sub3A_229 : vector<1600x128xf32>
    %reduce_sum3A_231 = arith.constant dense<0.000000e+00> : vector<1600xf32>
    %reduce_sum3A_232 = vector.multi_reduction <add>, %mul3A_230, %reduce_sum3A_231 [1] : vector<1600x128xf32> to vector<1600xf32>
    %broadcast_in_dim3A_233 = vector.shape_cast %reduce_sum3A_232 : vector<1600xf32> to vector<1600x1xf32>
    %div3A_234 = arith.constant 1.280000e+02 : f32
    %div3A_235 = vector.broadcast %div3A_234 : f32 to vector<1600x1xf32>
    %div3A_236 = arith.divf %broadcast_in_dim3A_233, %div3A_235 : vector<1600x1xf32>
    %add3A_237 = arith.constant 9.99999974E-6 : f32
    %add3A_238 = vector.broadcast %add3A_237 : f32 to vector<1600x1xf32>
    %add3A_239 = arith.addf %div3A_236, %add3A_238 : vector<1600x1xf32>
    %rsqrt3A_240 = math.rsqrt %add3A_239 : vector<1600x1xf32>
    %mul3A_241 = vector.broadcast %rsqrt3A_240 : vector<1600x1xf32> to vector<1600x128xf32>
    %mul3A_242 = arith.mulf %sub3A_229, %mul3A_241 : vector<1600x128xf32>
    %get3A_243 = arith.constant 0 : index
    %get3A_244 = arith.constant 0 : index
    %get3A_245 = vector.load %arg22[%get3A_243, %get3A_244] : memref<1x128xf32, #tpu.memory_space<vmem>>, vector<1x128xf32>
    %mul3A_246 = vector.broadcast %get3A_245 : vector<1x128xf32> to vector<1600x128xf32>
    %mul3A_247 = arith.mulf %mul3A_242, %mul3A_246 : vector<1600x128xf32>
    %get3A_248 = arith.constant 0 : index
    %get3A_249 = arith.constant 0 : index
    %get3A_250 = vector.load %arg23[%get3A_248, %get3A_249] : memref<1x128xf32, #tpu.memory_space<vmem>>, vector<1x128xf32>
    %add3A_251 = vector.broadcast %get3A_250 : vector<1x128xf32> to vector<1600x128xf32>
    %add3A_252 = arith.addf %mul3A_247, %add3A_251 : vector<1600x128xf32>
    %get3A_253 = arith.constant 0 : index
    %get3A_254 = arith.constant 0 : index
    %get3A_255 = vector.load %arg10[%get3A_253, %get3A_254] : memref<1600x128xf32, #tpu.memory_space<vmem>>, vector<1600x128xf32>
    %get3A_256 = arith.constant 0 : index
    %get3A_257 = arith.constant 0 : index
    %get3A_258 = vector.load %arg11[%get3A_256, %get3A_257] : memref<1600x128xf32, #tpu.memory_space<vmem>>, vector<1600x128xf32>
    %add3A_259 = arith.addf %get3A_255, %get3A_258 : vector<1600x128xf32>
    %add3A_260 = arith.addf %add3A_142, %add3A_183 : vector<1600x128xf32>
    %get3A_261 = arith.constant 0 : index
    %get3A_262 = arith.constant 0 : index
    %get3A_263 = vector.load %arg24[%get3A_261, %get3A_262] : memref<128x128xf32, #tpu.memory_space<vmem>>, vector<128x128xf32>
    %dot_general3A_264 = arith.constant dense<0.000000e+00> : vector<1600x128xf32>
    %dot_general3A_265 = tpu.matmul %add3A_260, %get3A_263, %dot_general3A_264 {dimension_numbers = #tpu.dot_dimension_numbers<[1], [0], [0], [1], [0, 0, 1, 1], [], []>, transpose_lhs_hint = false} : vector<1600x128xf32>, vector<128x128xf32>, vector<1600x128xf32> -> vector<1600x128xf32>
    %get3A_266 = arith.constant 0 : index
    %get3A_267 = arith.constant 0 : index
    %get3A_268 = vector.load %arg25[%get3A_266, %get3A_267] : memref<128x128xf32, #tpu.memory_space<vmem>>, vector<128x128xf32>
    %dot_general3A_269 = arith.constant dense<0.000000e+00> : vector<1600x128xf32>
    %dot_general3A_270 = tpu.matmul %add3A_259, %get3A_268, %dot_general3A_269 {dimension_numbers = #tpu.dot_dimension_numbers<[1], [0], [0], [1], [0, 0, 1, 1], [], []>, transpose_lhs_hint = false} : vector<1600x128xf32>, vector<128x128xf32>, vector<1600x128xf32> -> vector<1600x128xf32>
    %add3A_271 = arith.addf %dot_general3A_265, %dot_general3A_270 : vector<1600x128xf32>
    %get3A_272 = arith.constant 0 : index
    %get3A_273 = arith.constant 0 : index
    %get3A_274 = vector.load %arg26[%get3A_272, %get3A_273] : memref<128x128xf32, #tpu.memory_space<vmem>>, vector<128x128xf32>
    %dot_general3A_275 = arith.constant dense<0.000000e+00> : vector<1600x128xf32>
    %dot_general3A_276 = tpu.matmul %add3A_252, %get3A_274, %dot_general3A_275 {dimension_numbers = #tpu.dot_dimension_numbers<[1], [0], [0], [1], [0, 0, 1, 1], [], []>, transpose_lhs_hint = false} : vector<1600x128xf32>, vector<128x128xf32>, vector<1600x128xf32> -> vector<1600x128xf32>
    %add3A_277 = arith.addf %add3A_271, %dot_general3A_276 : vector<1600x128xf32>
    %get3A_278 = arith.constant 0 : index
    %get3A_279 = arith.constant 0 : index
    %get3A_280 = vector.load %arg27[%get3A_278, %get3A_279] : memref<1x128xf32, #tpu.memory_space<vmem>>, vector<1x128xf32>
    %add3A_281 = vector.broadcast %get3A_280 : vector<1x128xf32> to vector<1600x128xf32>
    %add3A_282 = arith.addf %add3A_277, %add3A_281 : vector<1600x128xf32>
    %max3A_283 = arith.constant 0.000000e+00 : f32
    %max3A_284 = vector.broadcast %max3A_283 : f32 to vector<1600x128xf32>
    %max3A_285 = arith.maximumf %add3A_282, %max3A_284 : vector<1600x128xf32>
    %get3A_286 = arith.constant 0 : index
    %get3A_287 = arith.constant 0 : index
    %get3A_288 = vector.load %arg28[%get3A_286, %get3A_287] : memref<128x128xf32, #tpu.memory_space<vmem>>, vector<128x128xf32>
    %dot_general3A_289 = arith.constant dense<0.000000e+00> : vector<1600x128xf32>
    %dot_general3A_290 = tpu.matmul %max3A_285, %get3A_288, %dot_general3A_289 {dimension_numbers = #tpu.dot_dimension_numbers<[1], [0], [0], [1], [0, 0, 1, 1], [], []>, transpose_lhs_hint = false} : vector<1600x128xf32>, vector<128x128xf32>, vector<1600x128xf32> -> vector<1600x128xf32>
    %get3A_291 = arith.constant 0 : index
    %get3A_292 = arith.constant 0 : index
    %get3A_293 = vector.load %arg29[%get3A_291, %get3A_292] : memref<1x128xf32, #tpu.memory_space<vmem>>, vector<1x128xf32>
    %add3A_294 = vector.broadcast %get3A_293 : vector<1x128xf32> to vector<1600x128xf32>
    %add3A_295 = arith.addf %dot_general3A_290, %add3A_294 : vector<1600x128xf32>
    %reduce_sum3A_296 = arith.constant dense<0.000000e+00> : vector<1600xf32>
    %reduce_sum3A_297 = vector.multi_reduction <add>, %add3A_295, %reduce_sum3A_296 [1] : vector<1600x128xf32> to vector<1600xf32>
    %broadcast_in_dim3A_298 = vector.shape_cast %reduce_sum3A_297 : vector<1600xf32> to vector<1600x1xf32>
    %div3A_299 = arith.constant 1.280000e+02 : f32
    %div3A_300 = vector.broadcast %div3A_299 : f32 to vector<1600x1xf32>
    %div3A_301 = arith.divf %broadcast_in_dim3A_298, %div3A_300 : vector<1600x1xf32>
    %sub3A_302 = vector.broadcast %div3A_301 : vector<1600x1xf32> to vector<1600x128xf32>
    %sub3A_303 = arith.subf %add3A_295, %sub3A_302 : vector<1600x128xf32>
    %mul3A_304 = arith.mulf %sub3A_303, %sub3A_303 : vector<1600x128xf32>
    %reduce_sum3A_305 = arith.constant dense<0.000000e+00> : vector<1600xf32>
    %reduce_sum3A_306 = vector.multi_reduction <add>, %mul3A_304, %reduce_sum3A_305 [1] : vector<1600x128xf32> to vector<1600xf32>
    %broadcast_in_dim3A_307 = vector.shape_cast %reduce_sum3A_306 : vector<1600xf32> to vector<1600x1xf32>
    %div3A_308 = arith.constant 1.280000e+02 : f32
    %div3A_309 = vector.broadcast %div3A_308 : f32 to vector<1600x1xf32>
    %div3A_310 = arith.divf %broadcast_in_dim3A_307, %div3A_309 : vector<1600x1xf32>
    %add3A_311 = arith.constant 9.99999974E-6 : f32
    %add3A_312 = vector.broadcast %add3A_311 : f32 to vector<1600x1xf32>
    %add3A_313 = arith.addf %div3A_310, %add3A_312 : vector<1600x1xf32>
    %rsqrt3A_314 = math.rsqrt %add3A_313 : vector<1600x1xf32>
    %mul3A_315 = vector.broadcast %rsqrt3A_314 : vector<1600x1xf32> to vector<1600x128xf32>
    %mul3A_316 = arith.mulf %sub3A_303, %mul3A_315 : vector<1600x128xf32>
    %get3A_317 = arith.constant 0 : index
    %get3A_318 = arith.constant 0 : index
    %get3A_319 = vector.load %arg30[%get3A_317, %get3A_318] : memref<1x128xf32, #tpu.memory_space<vmem>>, vector<1x128xf32>
    %mul3A_320 = vector.broadcast %get3A_319 : vector<1x128xf32> to vector<1600x128xf32>
    %mul3A_321 = arith.mulf %mul3A_316, %mul3A_320 : vector<1600x128xf32>
    %get3A_322 = arith.constant 0 : index
    %get3A_323 = arith.constant 0 : index
    %get3A_324 = vector.load %arg31[%get3A_322, %get3A_323] : memref<1x128xf32, #tpu.memory_space<vmem>>, vector<1x128xf32>
    %add3A_325 = vector.broadcast %get3A_324 : vector<1x128xf32> to vector<1600x128xf32>
    %add3A_326 = arith.addf %mul3A_321, %add3A_325 : vector<1600x128xf32>
    %swap3A = arith.constant 0 : index
    %swap3A_327 = arith.constant 0 : index
    %swap3A_328 = vector.load %arg36[%swap3A, %swap3A_327] : memref<1600x128xf32, #tpu.memory_space<vmem>>, vector<1600x128xf32>
    tpu.vector_store %arg36[%swap3A, %swap3A_327], %add3A_326 {strides = array<i32>} : memref<1600x128xf32, #tpu.memory_space<vmem>>, vector<1600x128xf32>,
    %get3A_329 = arith.constant 0 : index
    %get3A_330 = arith.constant 0 : index
    %get3A_331 = vector.load %arg32[%get3A_329, %get3A_330] : memref<128x128xf32, #tpu.memory_space<vmem>>, vector<128x128xf32>
    %dot_general3A_332 = arith.constant dense<0.000000e+00> : vector<1600x128xf32>
    %dot_general3A_333 = tpu.matmul %add3A_326, %get3A_331, %dot_general3A_332 {dimension_numbers = #tpu.dot_dimension_numbers<[1], [0], [0], [1], [0, 0, 1, 1], [], []>, transpose_lhs_hint = false} : vector<1600x128xf32>, vector<128x128xf32>, vector<1600x128xf32> -> vector<1600x128xf32>
    %get3A_334 = arith.constant 0 : index
    %get3A_335 = arith.constant 0 : index
    %get3A_336 = vector.load %arg33[%get3A_334, %get3A_335] : memref<1x128xf32, #tpu.memory_space<vmem>>, vector<1x128xf32>
    %add3A_337 = vector.broadcast %get3A_336 : vector<1x128xf32> to vector<1600x128xf32>
    %add3A_338 = arith.addf %dot_general3A_333, %add3A_337 : vector<1600x128xf32>
    %max3A_339 = arith.constant 0.000000e+00 : f32
    %max3A_340 = vector.broadcast %max3A_339 : f32 to vector<1600x128xf32>
    %max3A_341 = arith.maximumf %add3A_338, %max3A_340 : vector<1600x128xf32>
    %get3A_342 = arith.constant 0 : index
    %get3A_343 = arith.constant 0 : index
    %get3A_344 = vector.load %arg34[%get3A_342, %get3A_343] : memref<3x128xf32, #tpu.memory_space<vmem>>, vector<3x128xf32>
    %dot_general3A_345 = arith.constant dense<0.000000e+00> : vector<3x1600xf32>
    %dot_general3A_346 = tpu.matmul %get3A_344, %max3A_341, %dot_general3A_345 {dimension_numbers = #tpu.dot_dimension_numbers<[1], [1], [0], [0], [0, 0, 1, 0], [], []>, transpose_lhs_hint = false} : vector<3x128xf32>, vector<1600x128xf32>, vector<3x1600xf32> -> vector<3x1600xf32>
    %get3A_347 = arith.constant 0 : index
    %get3A_348 = arith.constant 0 : index
    %get3A_349 = vector.load %arg35[%get3A_347, %get3A_348] : memref<3x1xf32, #tpu.memory_space<vmem>>, vector<3x1xf32>
    %add3A_350 = vector.broadcast %get3A_349 : vector<3x1xf32> to vector<3x1600xf32>
    %add3A_351 = arith.addf %dot_general3A_346, %add3A_350 : vector<3x1600xf32>
    %slice3A = vector.extract_strided_slice %add3A_351 {offsets = [0, 0], sizes = [1, 1600], strides = [1, 1]} : vector<3x1600xf32> to vector<1x1600xf32>
    %mul3A_352 = vector.broadcast %slice3A : vector<1x1600xf32> to vector<3x1600xf32>
    %mul3A_353 = arith.mulf %mul3A_352, %get3A_3 : vector<3x1600xf32>
    %slice3A_354 = vector.extract_strided_slice %add3A_351 {offsets = [1, 0], sizes = [1, 1600], strides = [1, 1]} : vector<3x1600xf32> to vector<1x1600xf32>
    %mul3A_355 = vector.broadcast %slice3A_354 : vector<1x1600xf32> to vector<3x1600xf32>
    %mul3A_356 = arith.mulf %mul3A_355, %get3A_8 : vector<3x1600xf32>
    %add3A_357 = arith.addf %mul3A_353, %mul3A_356 : vector<3x1600xf32>
    %slice3A_358 = vector.extract_strided_slice %add3A_351 {offsets = [2, 0], sizes = [1, 1600], strides = [1, 1]} : vector<3x1600xf32> to vector<1x1600xf32>
    %mul3A_359 = vector.broadcast %slice3A_358 : vector<1x1600xf32> to vector<3x1600xf32>
    %mul3A_360 = arith.mulf %mul3A_359, %get3A_13 : vector<3x1600xf32>
    %add3A_361 = arith.addf %add3A_357, %mul3A_360 : vector<3x1600xf32>
    %swap3A_362 = arith.constant 0 : index
    %swap3A_363 = arith.constant 0 : index
    %swap3A_364 = arith.constant 0 : index
    %swap3A_365 = vector.load %arg37[%swap3A_362, %swap3A_363, %swap3A_364] : memref<1x3x1600xf32, #tpu.memory_space<vmem>>, vector<1x3x1600xf32>
    %swap3A_366 = vector.shape_cast %swap3A_365 : vector<1x3x1600xf32> to vector<3x1600xf32>
    %swap3A_367 = vector.shape_cast %add3A_361 : vector<3x1600xf32> to vector<1x3x1600xf32>
    tpu.vector_store %arg37[%swap3A_362, %swap3A_363, %swap3A_364], %swap3A_367 {strides = array<i32>} : memref<1x3x1600xf32, #tpu.memory_space<vmem>>, vector<1x3x1600xf32>,
    return
  }
  func.func @transform_0(%arg0: i32) -> (i32, i32, i32) {
    %c0_i32 = arith.constant 0 : i32
    %c0_i32_0 = arith.constant 0 : i32
    %c0_i32_1 = arith.constant 0 : i32
    return %arg0, %c0_i32, %c0_i32_0 : i32, i32, i32
  }
  func.func @transform_1(%arg0: i32) -> (i32, i32, i32) {
    %c0_i32 = arith.constant 0 : i32
    %c0_i32_0 = arith.constant 0 : i32
    %c0_i32_1 = arith.constant 0 : i32
    return %arg0, %c0_i32, %c0_i32_0 : i32, i32, i32
  }
  func.func @transform_2(%arg0: i32) -> (i32, i32, i32) {
    %c0_i32 = arith.constant 0 : i32
    %c0_i32_0 = arith.constant 0 : i32
    %c0_i32_1 = arith.constant 0 : i32
    return %arg0, %c0_i32, %c0_i32_0 : i32, i32, i32
  }
  func.func @transform_3(%arg0: i32) -> (i32, i32, i32) {
    %c0_i32 = arith.constant 0 : i32
    %c0_i32_0 = arith.constant 0 : i32
    %c0_i32_1 = arith.constant 0 : i32
    return %arg0, %c0_i32, %c0_i32_0 : i32, i32, i32
  }
  func.func @transform_4(%arg0: i32) -> (i32, i32, i32) {
    %c0_i32 = arith.constant 0 : i32
    %c0_i32_0 = arith.constant 0 : i32
    %c0_i32_1 = arith.constant 0 : i32
    return %arg0, %c0_i32, %c0_i32_0 : i32, i32, i32
  }
  func.func @transform_5(%arg0: i32) -> (i32, i32, i32) {
    %c0_i32 = arith.constant 0 : i32
    %c0_i32_0 = arith.constant 0 : i32
    %c0_i32_1 = arith.constant 0 : i32
    return %arg0, %c0_i32, %c0_i32_0 : i32, i32, i32
  }
  func.func @transform_6(%arg0: i32) -> (i32, i32, i32) {
    %c0_i32 = arith.constant 0 : i32
    %c0_i32_0 = arith.constant 0 : i32
    %c0_i32_1 = arith.constant 0 : i32
    return %arg0, %c0_i32, %c0_i32_0 : i32, i32, i32
  }
  func.func @transform_7(%arg0: i32) -> (i32, i32, i32) {
    %c0_i32 = arith.constant 0 : i32
    %c0_i32_0 = arith.constant 0 : i32
    %c0_i32_1 = arith.constant 0 : i32
    return %arg0, %c0_i32, %c0_i32_0 : i32, i32, i32
  }
  func.func @transform_8(%arg0: i32) -> (i32, i32, i32) {
    %c0_i32 = arith.constant 0 : i32
    %c0_i32_0 = arith.constant 0 : i32
    %c0_i32_1 = arith.constant 0 : i32
    return %arg0, %c0_i32, %c0_i32_0 : i32, i32, i32
  }
  func.func @transform_9(%arg0: i32) -> (i32, i32) {
    %c0_i32 = arith.constant 0 : i32
    %c0_i32_0 = arith.constant 0 : i32
    return %arg0, %c0_i32 : i32, i32
  }
  func.func @transform_10(%arg0: i32) -> (i32, i32) {
    %c0_i32 = arith.constant 0 : i32
    %c0_i32_0 = arith.constant 0 : i32
    return %arg0, %c0_i32 : i32, i32
  }
  func.func @transform_11(%arg0: i32) -> (i32, i32) {
    %c0_i32 = arith.constant 0 : i32
    %c0_i32_0 = arith.constant 0 : i32
    %c0_i32_1 = arith.constant 0 : i32
    return %c0_i32, %c0_i32_0 : i32, i32
  }
  func.func @transform_12(%arg0: i32) -> (i32, i32) {
    %c0_i32 = arith.constant 0 : i32
    %c0_i32_0 = arith.constant 0 : i32
    %c0_i32_1 = arith.constant 0 : i32
    return %c0_i32, %c0_i32_0 : i32, i32
  }
  func.func @transform_13(%arg0: i32) -> (i32, i32) {
    %c0_i32 = arith.constant 0 : i32
    %c0_i32_0 = arith.constant 0 : i32
    %c0_i32_1 = arith.constant 0 : i32
    return %c0_i32, %c0_i32_0 : i32, i32
  }
  func.func @transform_14(%arg0: i32) -> (i32, i32) {
    %c0_i32 = arith.constant 0 : i32
    %c0_i32_0 = arith.constant 0 : i32
    %c0_i32_1 = arith.constant 0 : i32
    return %c0_i32, %c0_i32_0 : i32, i32
  }
  func.func @transform_15(%arg0: i32) -> (i32, i32) {
    %c0_i32 = arith.constant 0 : i32
    %c0_i32_0 = arith.constant 0 : i32
    %c0_i32_1 = arith.constant 0 : i32
    return %c0_i32, %c0_i32_0 : i32, i32
  }
  func.func @transform_16(%arg0: i32) -> (i32, i32) {
    %c0_i32 = arith.constant 0 : i32
    %c0_i32_0 = arith.constant 0 : i32
    %c0_i32_1 = arith.constant 0 : i32
    return %c0_i32, %c0_i32_0 : i32, i32
  }
  func.func @transform_17(%arg0: i32) -> (i32, i32) {
    %c0_i32 = arith.constant 0 : i32
    %c0_i32_0 = arith.constant 0 : i32
    %c0_i32_1 = arith.constant 0 : i32
    return %c0_i32, %c0_i32_0 : i32, i32
  }
  func.func @transform_18(%arg0: i32) -> (i32, i32) {
    %c0_i32 = arith.constant 0 : i32
    %c0_i32_0 = arith.constant 0 : i32
    %c0_i32_1 = arith.constant 0 : i32
    return %c0_i32, %c0_i32_0 : i32, i32
  }
  func.func @transform_19(%arg0: i32) -> (i32, i32) {
    %c0_i32 = arith.constant 0 : i32
    %c0_i32_0 = arith.constant 0 : i32
    %c0_i32_1 = arith.constant 0 : i32
    return %c0_i32, %c0_i32_0 : i32, i32
  }
  func.func @transform_20(%arg0: i32) -> (i32, i32) {
    %c0_i32 = arith.constant 0 : i32
    %c0_i32_0 = arith.constant 0 : i32
    %c0_i32_1 = arith.constant 0 : i32
    return %c0_i32, %c0_i32_0 : i32, i32
  }
  func.func @transform_21(%arg0: i32) -> (i32, i32) {
    %c0_i32 = arith.constant 0 : i32
    %c0_i32_0 = arith.constant 0 : i32
    %c0_i32_1 = arith.constant 0 : i32
    return %c0_i32, %c0_i32_0 : i32, i32
  }
  func.func @transform_22(%arg0: i32) -> (i32, i32) {
    %c0_i32 = arith.constant 0 : i32
    %c0_i32_0 = arith.constant 0 : i32
    %c0_i32_1 = arith.constant 0 : i32
    return %c0_i32, %c0_i32_0 : i32, i32
  }
  func.func @transform_23(%arg0: i32) -> (i32, i32) {
    %c0_i32 = arith.constant 0 : i32
    %c0_i32_0 = arith.constant 0 : i32
    %c0_i32_1 = arith.constant 0 : i32
    return %c0_i32, %c0_i32_0 : i32, i32
  }
  func.func @transform_24(%arg0: i32) -> (i32, i32) {
    %c0_i32 = arith.constant 0 : i32
    %c0_i32_0 = arith.constant 0 : i32
    %c0_i32_1 = arith.constant 0 : i32
    return %c0_i32, %c0_i32_0 : i32, i32
  }
  func.func @transform_25(%arg0: i32) -> (i32, i32) {
    %c0_i32 = arith.constant 0 : i32
    %c0_i32_0 = arith.constant 0 : i32
    %c0_i32_1 = arith.constant 0 : i32
    return %c0_i32, %c0_i32_0 : i32, i32
  }
  func.func @transform_26(%arg0: i32) -> (i32, i32) {
    %c0_i32 = arith.constant 0 : i32
    %c0_i32_0 = arith.constant 0 : i32
    %c0_i32_1 = arith.constant 0 : i32
    return %c0_i32, %c0_i32_0 : i32, i32
  }
  func.func @transform_27(%arg0: i32) -> (i32, i32) {
    %c0_i32 = arith.constant 0 : i32
    %c0_i32_0 = arith.constant 0 : i32
    %c0_i32_1 = arith.constant 0 : i32
    return %c0_i32, %c0_i32_0 : i32, i32
  }
  func.func @transform_28(%arg0: i32) -> (i32, i32) {
    %c0_i32 = arith.constant 0 : i32
    %c0_i32_0 = arith.constant 0 : i32
    %c0_i32_1 = arith.constant 0 : i32
    return %c0_i32, %c0_i32_0 : i32, i32
  }
  func.func @transform_29(%arg0: i32) -> (i32, i32) {
    %c0_i32 = arith.constant 0 : i32
    %c0_i32_0 = arith.constant 0 : i32
    %c0_i32_1 = arith.constant 0 : i32
    return %c0_i32, %c0_i32_0 : i32, i32
  }
  func.func @transform_30(%arg0: i32) -> (i32, i32) {
    %c0_i32 = arith.constant 0 : i32
    %c0_i32_0 = arith.constant 0 : i32
    %c0_i32_1 = arith.constant 0 : i32
    return %c0_i32, %c0_i32_0 : i32, i32
  }
  func.func @transform_31(%arg0: i32) -> (i32, i32) {
    %c0_i32 = arith.constant 0 : i32
    %c0_i32_0 = arith.constant 0 : i32
    %c0_i32_1 = arith.constant 0 : i32
    return %c0_i32, %c0_i32_0 : i32, i32
  }
  func.func @transform_32(%arg0: i32) -> (i32, i32) {
    %c0_i32 = arith.constant 0 : i32
    %c0_i32_0 = arith.constant 0 : i32
    %c0_i32_1 = arith.constant 0 : i32
    return %c0_i32, %c0_i32_0 : i32, i32
  }
  func.func @transform_33(%arg0: i32) -> (i32, i32) {
    %c0_i32 = arith.constant 0 : i32
    %c0_i32_0 = arith.constant 0 : i32
    %c0_i32_1 = arith.constant 0 : i32
    return %c0_i32, %c0_i32_0 : i32, i32
  }
  func.func @transform_34(%arg0: i32) -> (i32, i32) {
    %c0_i32 = arith.constant 0 : i32
    %c0_i32_0 = arith.constant 0 : i32
    %c0_i32_1 = arith.constant 0 : i32
    return %c0_i32, %c0_i32_0 : i32, i32
  }
  func.func @transform_35(%arg0: i32) -> (i32, i32) {
    %c0_i32 = arith.constant 0 : i32
    %c0_i32_0 = arith.constant 0 : i32
    return %arg0, %c0_i32 : i32, i32
  }
  func.func @transform_36(%arg0: i32) -> (i32, i32, i32) {
    %c0_i32 = arith.constant 0 : i32
    %c0_i32_0 = arith.constant 0 : i32
    %c0_i32_1 = arith.constant 0 : i32
    return %arg0, %c0_i32, %c0_i32_0 : i32, i32, i32
  }
}

module attributes {stable_mosaic.version = 14 : i64} {
  func.func @_node_body(%arg0: memref<10000x128xf32, #tpu.memory_space<vmem>>, %arg1: memref<10000x3xf32, #tpu.memory_space<vmem>>, %arg2: memref<10000x3xf32, #tpu.memory_space<vmem>>, %arg3: memref<10000x3xf32, #tpu.memory_space<vmem>>, %arg4: memref<128x128xf32, #tpu.memory_space<vmem>>, %arg5: memref<1x128xf32, #tpu.memory_space<vmem>>, %arg6: memref<128x1xf32, #tpu.memory_space<vmem>>, %arg7: memref<1x1xf32, #tpu.memory_space<vmem>>, %arg8: memref<128x128xf32, #tpu.memory_space<vmem>>, %arg9: memref<1x128xf32, #tpu.memory_space<vmem>>, %arg10: memref<128x3xf32, #tpu.memory_space<vmem>>, %arg11: memref<1x3xf32, #tpu.memory_space<vmem>>, %arg12: memref<10000x3xf32, #tpu.memory_space<vmem>>) attributes {dimension_semantics = [], scalar_prefetch = 0 : i64, scratch_operands = 0 : i64, tpu.core_type = #tpu.core_type<tc>} {
    %get3A = arith.constant 0 : index
    %get3A_0 = arith.constant 0 : index
    %get3A_1 = vector.load %arg0[%get3A, %get3A_0] : memref<10000x128xf32, #tpu.memory_space<vmem>>, vector<10000x128xf32>
    %get3A_2 = arith.constant 0 : index
    %get3A_3 = arith.constant 0 : index
    %get3A_4 = vector.load %arg4[%get3A_2, %get3A_3] : memref<128x128xf32, #tpu.memory_space<vmem>>, vector<128x128xf32>
    %dot_general3A = arith.constant dense<0.000000e+00> : vector<10000x128xf32>
    %dot_general3A_5 = tpu.matmul %get3A_1, %get3A_4, %dot_general3A {dimension_numbers = #tpu.dot_dimension_numbers<[1], [0], [0], [1], [0, 0, 1, 1], [], []>, transpose_lhs_hint = false} : vector<10000x128xf32>, vector<128x128xf32>, vector<10000x128xf32> -> vector<10000x128xf32>
    %get3A_6 = arith.constant 0 : index
    %get3A_7 = arith.constant 0 : index
    %get3A_8 = vector.load %arg5[%get3A_6, %get3A_7] : memref<1x128xf32, #tpu.memory_space<vmem>>, vector<1x128xf32>
    %add3A = vector.broadcast %get3A_8 : vector<1x128xf32> to vector<10000x128xf32>
    %add3A_9 = arith.addf %dot_general3A_5, %add3A : vector<10000x128xf32>
    %max3A = arith.constant 0.000000e+00 : f32
    %max3A_10 = vector.broadcast %max3A : f32 to vector<10000x128xf32>
    %max3A_11 = arith.maximumf %add3A_9, %max3A_10 : vector<10000x128xf32>
    %get3A_12 = arith.constant 0 : index
    %get3A_13 = arith.constant 0 : index
    %get3A_14 = vector.load %arg6[%get3A_12, %get3A_13] : memref<128x1xf32, #tpu.memory_space<vmem>>, vector<128x1xf32>
    %dot_general3A_15 = arith.constant dense<0.000000e+00> : vector<10000x1xf32>
    %dot_general3A_16 = tpu.matmul %max3A_11, %get3A_14, %dot_general3A_15 {dimension_numbers = #tpu.dot_dimension_numbers<[1], [0], [0], [1], [0, 0, 1, 1], [], []>, transpose_lhs_hint = false} : vector<10000x128xf32>, vector<128x1xf32>, vector<10000x1xf32> -> vector<10000x1xf32>
    %get3A_17 = arith.constant 0 : index
    %get3A_18 = arith.constant 0 : index
    %get3A_19 = vector.load %arg7[%get3A_17, %get3A_18] : memref<1x1xf32, #tpu.memory_space<vmem>>, vector<1x1xf32>
    %add3A_20 = vector.broadcast %get3A_19 : vector<1x1xf32> to vector<10000x1xf32>
    %add3A_21 = arith.addf %dot_general3A_16, %add3A_20 : vector<10000x1xf32>
    %get3A_22 = arith.constant 0 : index
    %get3A_23 = arith.constant 0 : index
    %get3A_24 = vector.load %arg8[%get3A_22, %get3A_23] : memref<128x128xf32, #tpu.memory_space<vmem>>, vector<128x128xf32>
    %dot_general3A_25 = arith.constant dense<0.000000e+00> : vector<10000x128xf32>
    %dot_general3A_26 = tpu.matmul %get3A_1, %get3A_24, %dot_general3A_25 {dimension_numbers = #tpu.dot_dimension_numbers<[1], [0], [0], [1], [0, 0, 1, 1], [], []>, transpose_lhs_hint = false} : vector<10000x128xf32>, vector<128x128xf32>, vector<10000x128xf32> -> vector<10000x128xf32>
    %get3A_27 = arith.constant 0 : index
    %get3A_28 = arith.constant 0 : index
    %get3A_29 = vector.load %arg9[%get3A_27, %get3A_28] : memref<1x128xf32, #tpu.memory_space<vmem>>, vector<1x128xf32>
    %add3A_30 = vector.broadcast %get3A_29 : vector<1x128xf32> to vector<10000x128xf32>
    %add3A_31 = arith.addf %dot_general3A_26, %add3A_30 : vector<10000x128xf32>
    %max3A_32 = arith.constant 0.000000e+00 : f32
    %max3A_33 = vector.broadcast %max3A_32 : f32 to vector<10000x128xf32>
    %max3A_34 = arith.maximumf %add3A_31, %max3A_33 : vector<10000x128xf32>
    %get3A_35 = arith.constant 0 : index
    %get3A_36 = arith.constant 0 : index
    %get3A_37 = vector.load %arg10[%get3A_35, %get3A_36] : memref<128x3xf32, #tpu.memory_space<vmem>>, vector<128x3xf32>
    %dot_general3A_38 = arith.constant dense<0.000000e+00> : vector<10000x3xf32>
    %dot_general3A_39 = tpu.matmul %max3A_34, %get3A_37, %dot_general3A_38 {dimension_numbers = #tpu.dot_dimension_numbers<[1], [0], [0], [1], [0, 0, 1, 1], [], []>, transpose_lhs_hint = false} : vector<10000x128xf32>, vector<128x3xf32>, vector<10000x3xf32> -> vector<10000x3xf32>
    %get3A_40 = arith.constant 0 : index
    %get3A_41 = arith.constant 0 : index
    %get3A_42 = vector.load %arg11[%get3A_40, %get3A_41] : memref<1x3xf32, #tpu.memory_space<vmem>>, vector<1x3xf32>
    %add3A_43 = vector.broadcast %get3A_42 : vector<1x3xf32> to vector<10000x3xf32>
    %add3A_44 = arith.addf %dot_general3A_39, %add3A_43 : vector<10000x3xf32>
    %get3A_45 = arith.constant 0 : index
    %get3A_46 = arith.constant 0 : index
    %get3A_47 = vector.load %arg1[%get3A_45, %get3A_46] : memref<10000x3xf32, #tpu.memory_space<vmem>>, vector<10000x3xf32>
    %mul3A = vector.broadcast %add3A_21 : vector<10000x1xf32> to vector<10000x3xf32>
    %mul3A_48 = arith.mulf %mul3A, %get3A_47 : vector<10000x3xf32>
    %get3A_49 = arith.constant 0 : index
    %get3A_50 = arith.constant 0 : index
    %get3A_51 = vector.load %arg2[%get3A_49, %get3A_50] : memref<10000x3xf32, #tpu.memory_space<vmem>>, vector<10000x3xf32>
    %add3A_52 = arith.addf %mul3A_48, %get3A_51 : vector<10000x3xf32>
    %get3A_53 = arith.constant 0 : index
    %get3A_54 = arith.constant 0 : index
    %get3A_55 = vector.load %arg3[%get3A_53, %get3A_54] : memref<10000x3xf32, #tpu.memory_space<vmem>>, vector<10000x3xf32>
    %add3A_56 = arith.addf %add3A_52, %get3A_55 : vector<10000x3xf32>
    %sub3A = arith.subf %add3A_56, %add3A_44 : vector<10000x3xf32>
    %swap3A = arith.constant 0 : index
    %swap3A_57 = arith.constant 0 : index
    %swap3A_58 = vector.load %arg12[%swap3A, %swap3A_57] : memref<10000x3xf32, #tpu.memory_space<vmem>>, vector<10000x3xf32>
    tpu.vector_store %arg12[%swap3A, %swap3A_57], %sub3A {strides = array<i32>} : memref<10000x3xf32, #tpu.memory_space<vmem>>, vector<10000x3xf32>,
    return
  }
}

</mosaic_0001>

<sc_bundles>
// kernel: kernel.6.cloned.1.call-start
scs
__scs_entry_jumppad:
0x0: {  	(pc) =	sbr.rel $0x88, $3  }
0x1: {  	(tag) =	ssettag $0x0;
	lr =	simm.s32 $0x1  }
0x2: {  	[smem:$0x3F77] =	sst lr;
	_ =	strace $0xD0000000  }
0x3: {  	_ = 	snop  }
0x4: {  	_ = 	snop  }
0x5: {  	_ = 	snop  }
0x6: {  	_ = 	snop  }
0x7: {  	_ = 	snop  }
__scs_overlays_trampoline_lowered:
0x8: {  	[smem:$0x3F86] =	sst s0  }
0x9: {  	[smem:$0x3F87] =	sst s1  }
0xa: {  	[smem:$0x3F88] =	sst s2  }
0xb: {  	[smem:$0x3F89] =	sst s3  }
0xc: {  	[smem:$0x3F8A] =	sst s4  }
0xd: {  	[smem:$0x3F8B] =	sst s5  }
0xe: {  	[smem:$0x3F8C] =	sst s6  }
0xf: {  	[smem:$0x3F8D] =	sst s7  }
0x10: {  	[smem:$0x3F8E] =	sst s8  }
0x11: {  	[smem:$0x3F8F] =	sst s9;
	s0 =	simm.s32 @!p0 $0x0  }
0x12: {  	s1 =	sld [smem:$0x3F75];
	s0 =	simm.s32 @p0 $0x1  }
0x13: {  	[smem:$0x3F90] =	sst s0;
	s0 =	simm.s32 @!p1 $0x0  }
0x14: {  	s2 =	sld [smem:$0x3F74];
	s0 =	simm.s32 @p1 $0x1  }
0x15: {  	[smem:$0x3F91] =	sst s0;
	s0 =	simm.s32 @!p2 $0x0  }
0x16: {  	s3 =	sld [smem:$0x3FDB];
	s0 =	simm.s32 @p2 $0x1  }
0x17: {  	s4 =	simm.s32 $0x1BF5;
	[smem:$0x3F93] =	sst s0  }
0x18: {  	s0 =	sld [smem:$0x3F76];
	_ =	swait.ge [sflag:s4], $0x0  }
0x19: {  	s7 =	sld [smem:$0x3F77]  }
0x1a: {  	s8 =	sadd.s32 $0xFFFFE003, lr  }
0x1b: {  	s9 =	sadd.s32 $0xFFFFFEF7, lr;
	s5 =	simm.s32 $0xFFFFFFFF;
	p2 =	slt.u32 s8, $0xFFFFF086  }
0x1c: {  	p1 =	slt.u32 s9, $0xF7A;
	s5 =	simm.s32 @!p2 $0x0  }
0x1d: {  	s5 =	simm.s32 @p1 $0x1;
	p0 =	seq.s32 s7, s2  }
0x1e: {  	s7 =	smul.u32 @!p0 $0xF7A, s2;
	p2 =	seq.s32 @!p0 s5, $0x0  }
0x1f: {  	s9 =	smul.u32 $0xF7A, s1;
	s8 =	simm.s32 @!p0 $0x1BF5;
	p2 =	por !p2, p0  }
0x20: {  	[sflag:s8] =	ssyncset.s32 @!p0 $0xFFFFF086;
	s6 =	sadd.s32 @!p0 s3, s7;
	s7 =	simm.s32 @!p0 $0x108  }
0x21: {  	s3 =	sadd.s32 s3, s9;
	s6 =	sadd.s32 @!p0 $0x88, s6;
	s7 =	simm.s32 @p2 $0x1082  }
0x22: {  	[simem:s7], [sflag:s8] =	dma.local @!p0 [hbm:s6], $0xF7A  }
0x23: {  	s9 =	sor.u32 $0xD0000000, s2;
	s6 =	simm.s32 $0x108;
	_ =	swait.ge @!p0 [sflag:s8], $0x0  }
0x24: {  	s3 =	sadd.s32 $0x88, s3;
	s6 =	simm.s32 @!p1 $0x1082;
	[sflag:s4] =	ssyncset.s32 $0xFFFFF086  }
0x25: {  	[simem:s6], [sflag:s4] =	dma.local [hbm:s3], $0xF7A  }
0x26: {  	[smem:$0x3F77] =	sst s1;
	(tag) =	ssettag s2;
	_ =	strace s9  }
0x27: {  	s1 =	sld [smem:$0x3F87]  }
0x28: {  	s2 =	sld [smem:$0x3F88]  }
0x29: {  	s4 =	sld [smem:$0x3F8A]  }
0x2a: {  	p0 =	seq.s32 s5, $0x0;
	s5 =	sld [smem:$0x3F8B]  }
0x2b: {  	s6 =	sld [smem:$0x3F8C]  }
0x2c: {  	s7 =	sld [smem:$0x3F8D]  }
0x2d: {  	s3 =	simm.s32 $0x108;
	s8 =	sld [smem:$0x3F8E]  }
0x2e: {  	s3 =	simm.s32 @!p0 $0x1082;
	s9 =	sld [smem:$0x3F8F]  }
0x2f: {  	lr =	sadd.s32 s0, s3;
	s0 =	sld [smem:$0x3F86]  }
0x30: {  	s3 =	sld [smem:$0x3F89]  }
0x31: {  	[smem:$0x3F92] =	sst s10  }
0x32: {  	s10 =	sld [smem:$0x3F90];
	_ =	sdelay $0x3  }
0x33: {  	p0 =	seq.s32 s10, $0x1;
	s10 =	sld [smem:$0x3F92];
	_ =	sdelay $0x3  }
0x34: {  	[smem:$0x3F92] =	sst s10  }
0x35: {  	s10 =	sld [smem:$0x3F91];
	_ =	sdelay $0x3  }
0x36: {  	p1 =	seq.s32 s10, $0x1;
	s10 =	sld [smem:$0x3F92];
	_ =	sdelay $0x3  }
0x37: {  	[smem:$0x3F92] =	sst s10  }
0x38: {  	s10 =	sld [smem:$0x3F93]  }
0x39: {  	_ = 	snop;
	(pc) =	sbr.ind lr, $3  }
0x3a: {  	_ = 	snop  }
0x3b: {  	_ = 	snop  }
0x3c: {  	p2 =	seq.s32 s10, $0x1;
	s10 =	sld [smem:$0x3F92]  }
0x3d: {  	_ =	shalt  }
0x3e: {  	_ =	shalt  }
0x3f: {  	_ =	shalt  }
0x40: {  	_ =	shalt  }
0x41: {  	_ =	shalt  }
0x42: {  	_ =	shalt  }
0x43: {  	_ =	shalt  }
0x44: {  	_ =	shalt  }
0x45: {  	_ =	shalt  }
0x46: {  	_ =	shalt  }
0x47: {  	_ =	shalt  }
0x48: {  	_ =	shalt  }
0x49: {  	_ =	shalt  }
0x4a: {  	_ =	shalt  }
0x4b: {  	_ =	shalt  }
0x4c: {  	_ =	shalt  }
0x4d: {  	_ =	shalt  }
0x4e: {  	_ =	shalt  }
0x4f: {  	_ =	shalt  }
0x50: {  	_ =	shalt  }
0x51: {  	_ =	shalt  }
0x52: {  	_ =	shalt  }
0x53: {  	_ =	shalt  }
0x54: {  	_ =	shalt  }
0x55: {  	_ =	shalt  }
0x56: {  	_ =	shalt  }
0x57: {  	_ =	shalt  }
0x58: {  	_ =	shalt  }
0x59: {  	_ =	shalt  }
0x5a: {  	_ =	shalt  }
0x5b: {  	_ =	shalt  }
0x5c: {  	_ =	shalt  }
0x5d: {  	_ =	shalt  }
0x5e: {  	_ =	shalt  }
0x5f: {  	_ =	shalt  }
0x60: {  	_ =	shalt  }
0x61: {  	_ =	shalt  }
0x62: {  	_ =	shalt  }
0x63: {  	_ =	shalt  }
0x64: {  	_ =	shalt  }
0x65: {  	_ =	shalt  }
0x66: {  	_ =	shalt  }
0x67: {  	_ =	shalt  }
0x68: {  	_ =	shalt  }
0x69: {  	_ =	shalt  }
0x6a: {  	_ =	shalt  }
0x6b: {  	_ =	shalt  }
0x6c: {  	_ =	shalt  }
0x6d: {  	_ =	shalt  }
0x6e: {  	_ =	shalt  }
0x6f: {  	_ =	shalt  }
0x70: {  	_ =	shalt  }
0x71: {  	_ =	shalt  }
0x72: {  	_ =	shalt  }
0x73: {  	_ =	shalt  }
0x74: {  	_ =	shalt  }
0x75: {  	_ =	shalt  }
0x76: {  	_ =	shalt  }
0x77: {  	_ =	shalt  }
0x78: {  	_ =	shalt  }
0x79: {  	_ =	shalt  }
0x7a: {  	_ =	shalt  }
0x7b: {  	_ =	shalt  }
0x7c: {  	_ =	shalt  }
0x7d: {  	_ =	shalt  }
0x7e: {  	_ =	shalt  }
0x7f: {  	_ =	shalt  }
0x80: {  	_ =	shalt  }
0x81: {  	_ =	shalt  }
0x82: {  	_ =	shalt  }
0x83: {  	_ =	shalt  }
0x84: {  	_ =	shalt  }
0x85: {  	_ =	shalt  }
0x86: {  	_ =	shalt  }
0x87: {  	_ =	shalt  }
.Lfunc_end0:
.L_simem_size_0:
called_computation_lowered:
.L_overlay_start_0:
0x88: {  	s2 =	sld [smem:$0x3FD9]  }
0x89: {  	s3 =	sld [smem:$0x3FFE];
	_ =	sdelay $0x1  }
0x8a: {  	s1 =	srdreg.scid  }
0x8b: {  	s0 =	sand.u32 $0x1, s1  }
0x8c: {  	s14 =	sshll.u32 s0, $0xA;
	s2 =	sadd.s32 s3, s2  }
0x8d: {  	s2 =	sadd.s32 s2, s14  }
0x8e: {  	[smem:$0x3F9E] =	sst s2  }
0x8f: {  	_ = 	snop  }
0x90: {  	s2 =	sld [smem:$0x3FD0];
	_ =	sdelay $0x2  }
0x91: {  	s4 =	simm.s32 $0xA;
	s5 =	simm.s32 $0x10;
	s15 =	sld [smem:$0x3FBE]  }
0x92: {  	[smem:s5], [sflag:s4] =	dma.local [hbm:s2], $0x1  }
0x93: {  	_ =	swait.eq [sflag:s4], $0x1  }
0x94: {  	[sflag:s4] =	ssyncset.done $0x0  }
0x95: {  	[sflag:s4] =	ssyncadd.s32 $0xFFFFFFFF  }
0x96: {  	s16 =	sld [smem:$0x11];
	(tm) =	ssettm $0x1  }
0x97: {  	s17 =	sld [smem:$0x3FFB];
	_ =	sdelay $0x3  }
0x98: {  	_ =	strace s17  }
0x99: {  	s4 =	sld [smem:$0x3FFC];
	_ =	sdelay $0x3  }
0x9a: {  	_ =	strace s4  }
0x9b: {  	s4 =	sld [smem:$0x3FFD];
	_ =	sdelay $0x3  }
0x9c: {  	_ =	strace s4  }
0x9d: {  	_ =	strace $0x8FFFFFFF  }
0x9e: {  	s18 =	sld [smem:$0x3FDB];
	_ =	sdelay $0x1  }
0x9f: {  	s19 =	simm.s32 $_scs_section_size  }
0xa0: {  	s6 =	simm.s32 $_size__tile_overlayer_lowered;
	s7 =	simm.s32 $_tile_overlayer_lowered  }
0xa1: {  	s22 =	simm.s32 $0x1BFF;
	s21 =	sshll.u32 s7, $0x1;
	s4 =	sadd.s32 s19, s18  }
0xa2: {  	s8 =	simm.s32 $0x0;
	s20 =	sshll.u32 s6, $0x1;
	s6 =	sadd.s32 s21, s4  }
0xa3: {  	[timem:s8], [sflag:s22] =	dma.local [hbm:s6], s20  }
0xa4: {  	_ =	swait.ge [sflag:s22], s20  }
0xa5: {  	s5 =	ssub.s32 $0x0, s20;
	[sflag:s22] =	ssyncset.done $0x0  }
0xa6: {  	[sflag:s22] =	ssyncadd.s32 s5;
	_ =	sdelay $0x1  }
0xa7: {  	s23 =	simm.s32 $0x1B8B  }
0xa8: {  	_ =	swait.ge [sflag:s23], $0x1  }
0xa9: {  	[sflag:s23] =	ssyncset.done $0x0  }
0xaa: {  	s25 =	simm.s32 $0x1B8E;
	s24 =	sld [smem:$0x3FFE];
	[sflag:s23] =	ssyncadd.s32 $0xFFFFFFFF  }
0xab: {  	s26 =	simm.s32 $execute0_lowered;
	[smem:$0x3FD2] =	sst s25  }
0xac: {  	s6 =	sshll.u32 s26, $0x1;
	_ =	strace $0x80000046;
	[dreg:$0x1] =	wrdreg $0xFFFFFFFF  }
0xad: {  	s28 =	simm.s32 $_size_execute0_lowered;
	s4 =	sadd.s32 s4, s6;
	[dreg:$0x0] =	wrdreg $0x0  }
0xae: {  	s6 =	sshll.u32 s28, $0x1;
	[dreg:$0x2] =	wrdreg s4  }
0xaf: {  	[dreg:$0x3] =	wrdreg s6  }
0xb0: {  	[dreg:$0x4] =	wrdreg $0xC0  }
0xb1: {  	_ =	task [dreg:s8], $0x5FFFF  }
0xb2: {  	[dreg:$0x1] =	wrdreg $0xFFFFFFFF  }
0xb3: {  	[dreg:$0x0] =	wrdreg $0x60  }
0xb4: {  	[dreg:$0x2] =	wrdreg s16  }
0xb5: {  	[dreg:$0x3] =	wrdreg s24  }
0xb6: {  	[dreg:$0x4] =	wrdreg s15  }
0xb7: {  	[dreg:$0x5] =	wrdreg $0x0  }
0xb8: {  	[dreg:$0x6] =	wrdreg $0x9  }
0xb9: {  	_ =	task.clear_ibuf [dreg:s8], $0x7FFFF;
	_ =	strace $0x90000046  }
0xba: {  	s29 =	simm.s32 $0x9;
	_ =	strace $0x80000048  }
0xbb: {  	_ =	swait.ge [sflag:s29], $0x1  }
0xbc: {  	[sflag:s29] =	ssyncadd.s32 $0xFFFFFFFF  }
0xbd: {  	_ =	strace $0x90000048  }
0xbe: {  	_ =	sfence  }
0xbf: {  	s30 =	sld [smem:$0x0];
	_ =	sdelay $0x2  }
0xc0: {  	s31 =	sshll.u32 s1, $0xD;
	s1 =	sshrl.u32 s1, $0x2  }
0xc1: {  	s3 =	sand.u32 $0x4000, s31;
	s1 =	sadd.s32 s1, s30  }
0xc2: {  	s0 =	sor.u32 s3, s0;
	s1 =	sshll.u32 s1, $0x11  }
0xc3: {  	s0 =	sor.u32 s1, s0  }
0xc4: {  	s0 =	sadd.s32 $0x8F2B, s0  }
0xc5: {  	[sflag:s0] =	ssyncadd.remote.s32 $0x1  }
0xc6: {  	_ =	sfence.sel $0xFFFF  }
0xc7: {  	[dreg:$0x0] =	wrdreg $0xFFFFFFFF;
	(pc) =	sbr.abs _section_cstart, $3  }
0xc8: {  	[dreg:$0x1] =	wrdreg $0xFFFFFFFF  }
0xc9: {  	_ =	task.clear_ibuf [dreg:s8], $0x2FFFF;
	_ =	strace $0x9FFFFFFF  }
0xca: {  	(tm) =	ssettm $0x7FFFFFFF  }
0xcb: {  	_ =	shalt  }
tec
execute0_lowered:
.L_overlay_start_1:
0x0: {  	(tag) =	ssettag $0x1  }
0x1: {  	s7 =	rddreg [dreg:$0x0]  }
0x2: {  	s5 =	rddreg [dreg:$0x1]  }
0x3: {  	s1 =	rddreg [dreg:$0x2]  }
0x4: {  	s2 =	rddreg [dreg:$0x3]  }
0x5: {  	s3 =	srdreg.scid;
	s0 =	rddreg [dreg:$0x4]  }
0x6: {  	s8 =	stileid.u32;
	s14 =	simm.s32 $0x80;
	s15 =	simm.s32 $0x13980  }
0x7: {  	s16 =	simm.s32 $0x17980;
	s17 =	simm.s32 $0x1;
	s18 =	simm.s32 $0x2  }
0x8: {  	s19 =	simm.s32 $0x0;
	s9 =	sand.u32 $0x1, s3;
	s3 =	simm.s32 $0x0  }
0x9: {  	s4 =	sshll.u32 s8, $0x8;
	s11 =	sshll.u32 s8, $0xC;
	p0 =	slt.u32 s8, $0x2  }
0xa: {  	s6 =	sshll.u32 s9, $0x7;
	[smem:$0x7FF] =	sst s3;
	s12 =	ssub.s32 $0x2, s9  }
0xb: {  	s11 =	sadd.s32 s11, s5;
	s9 =	sshll.u32 s9, $0xB;
	s4 =	sor.u32 s6, s4  }
0xc: {  	_ =	strace $0x80000047;
	s13 =	sshrl.u32 s12, $0x1;
	s9 =	sadd.s32 s9, s11  }
0xd: {  	s11 =	simm.s32 $0x13880;
	s10 =	sshrl.u32 s4, $0x3;
	s4 =	simm.s32 $0x4F  }
0xe: {  	s31 =	ssub.s32 s12, s13;
	s12 =	simm.s32 $0x3;
	s13 =	simm.s32 $0x13900  }
0xf: {  	s30 =	sadd.s32 s10, s5;
	s4 =	simm.s32 @!p0 $0x4E;
	s5 =	smax.u32 s31, $0x1  }
0x10: {  	s7 =	sadd.s32 s10, s7;
	p0 =	sne.s32 s8, $0x0;
	s8 =	sadd.s32 $0xF800, s9  }
0x11: {  	s9 =	sadd.s32 $0x4F1800, s9;
	s6 =	sadd.s32 $0x5A00, s30;
	s10 =	sshrl.u32 @!p0 s2, $0x3  }
.LBB2_1:
0x12: {  	s20 =	simm.s32 @!p0 $0x1C03  }
0x13: {  	[spmem:s10], [sflag:s20] =	dma.local @!p0 [hbm:s1], $0x27100  }
0x14: {  	s20 =	simm.s32 @!p0 $0x3  }
0x15: {  	_ =	swait.ge @!p0 [sflag:s20], $0x27100  }
0x16: {  	[sflag:s20] =	ssyncset.done @!p0 $0x0  }
0x17: {  	[sflag:s20] =	ssyncadd.s32 @!p0 $0xFFFD8F00  }
0x18: {  	[bflag:$0x0] =	sbarrier.arrive $0xFFFF  }
0x19: {  	[tilespmem:s11], [sflag:$0x3] =	stream.linear.gather [hbm4b:s7+s3], $0x80, $0x38;
	[tilespmem:$0x1B980] =	vst v63  }
0x1a: {  	_ =	swait.ge [sflag:s12], $0x80  }
0x1b: {  	[sflag:s12] =	ssyncset.done $0x0  }
0x1c: {  	[sflag:s12] =	ssyncadd.s32 $0xFFFFFF80  }
0x1d: {  	[tilespmem:s13], [sflag:$0x3] =	stream.linear.gather [hbm4b:s6+s3], $0x80, $0x38;
	[tilespmem:$0x1B980] =	vst v63  }
0x1e: {  	_ =	swait.ge [sflag:s12], $0x80  }
0x1f: {  	[sflag:s12] =	ssyncset.done $0x0  }
0x20: {  	[sflag:s12] =	ssyncadd.s32 $0xFFFFFF80  }
0x21: {  	[tilespmem:s15], [sflag:$0x1] =	stream.indirect.gather [spmem:s2], $0x80, s11, s14, $0xb8;
	[tilespmem:$0x1B980] =	vst v63  }
0x22: {  	_ = 	snop  }
0x23: {  	[tilespmem:s16], [sflag:$0x2] =	stream.indirect.gather [spmem:s2], $0x80, s13, s14, $0xb8;
	[tilespmem:$0x1B980] =	vst v63  }
0x24: {  	_ =	swait.ge [sflag:s17], $0x4000  }
0x25: {  	[sflag:s17] =	ssyncset.done $0x0  }
0x26: {  	[sflag:s17] =	ssyncadd.s32 $0xFFFFC000  }
0x27: {  	_ =	swait.ge [sflag:s18], $0x4000  }
0x28: {  	[sflag:s18] =	ssyncset.done $0x0  }
0x29: {  	[sflag:s18] =	ssyncadd.s32 $0xFFFFC000  }
0x2a: {  	[hbm4b:s8+s3] =	stream.linear.scatter [tilespmem:s15], [sflag:$0x3], $0x4000, $0x38;
	[tilespmem:$0x1B980] =	vst v63  }
0x2b: {  	p1 =	sne.s32 s4, $0x1;
	_ =	swait.ge [sflag:s12], $0x4000  }
.Ltmp0:
0x2c: {  	[sflag:s12] =	ssyncset.done $0x0;
	(pc) =	sbr.rel @!p1 .LBB2_3-.Ltmp0, $4  }
0x2d: {  	s21 =	sadd.s32 $0x10000, s8;
	[sflag:s12] =	ssyncadd.s32 $0xFFFFC000  }
0x2e: {  	[hbm4b:s9+s3] =	stream.linear.scatter [tilespmem:s16], [sflag:$0x3], $0x4000, $0x38;
	[tilespmem:$0x1B980] =	vst v63  }
0x2f: {  	s22 =	sadd.s32 $0x10000, s9;
	s23 =	smov.u32 s6;
	_ =	swait.ge [sflag:s12], $0x4000  }
0x30: {  	s24 =	smov.u32 s7;
	s20 =	sadd.s32 $0xFFFFFFFF, s4;
	[sflag:s12] =	ssyncset.done $0x0  }
.LBB2_2:
0x31: {  	[sflag:s12] =	ssyncadd.s32 $0xFFFFC000;
	s23 =	sadd.s32 $0x200, s23;
	s24 =	sadd.s32 $0x200, s24  }
0x32: {  	[tilespmem:s11], [sflag:$0x3] =	stream.linear.gather [hbm4b:s24+s3], $0x80, $0x38;
	[tilespmem:$0x1B980] =	vst v63  }
0x33: {  	p1 =	sne.s32 s20, $0x1;
	s20 =	sadd.s32 $0xFFFFFFFF, s20;
	_ =	swait.ge [sflag:s12], $0x80  }
0x34: {  	[sflag:s12] =	ssyncset.done $0x0  }
0x35: {  	[sflag:s12] =	ssyncadd.s32 $0xFFFFFF80  }
0x36: {  	[tilespmem:s13], [sflag:$0x3] =	stream.linear.gather [hbm4b:s23+s3], $0x80, $0x38;
	[tilespmem:$0x1B980] =	vst v63  }
0x37: {  	_ =	swait.ge [sflag:s12], $0x80  }
0x38: {  	[sflag:s12] =	ssyncset.done $0x0  }
0x39: {  	[sflag:s12] =	ssyncadd.s32 $0xFFFFFF80  }
0x3a: {  	[tilespmem:s15], [sflag:$0x1] =	stream.indirect.gather [spmem:s2], $0x80, s11, s14, $0xb8;
	[tilespmem:$0x1B980] =	vst v63  }
0x3b: {  	_ = 	snop  }
0x3c: {  	[tilespmem:s16], [sflag:$0x2] =	stream.indirect.gather [spmem:s2], $0x80, s13, s14, $0xb8;
	[tilespmem:$0x1B980] =	vst v63  }
0x3d: {  	_ =	swait.ge [sflag:s17], $0x4000  }
0x3e: {  	[sflag:s17] =	ssyncset.done $0x0  }
0x3f: {  	[sflag:s17] =	ssyncadd.s32 $0xFFFFC000  }
0x40: {  	_ =	swait.ge [sflag:s18], $0x4000  }
0x41: {  	[sflag:s18] =	ssyncset.done $0x0  }
0x42: {  	[sflag:s18] =	ssyncadd.s32 $0xFFFFC000  }
0x43: {  	[hbm4b:s21+s3] =	stream.linear.scatter [tilespmem:s15], [sflag:$0x3], $0x4000, $0x38;
	[tilespmem:$0x1B980] =	vst v63  }
0x44: {  	_ =	swait.ge [sflag:s12], $0x4000  }
.Ltmp1:
0x45: {  	[sflag:s12] =	ssyncset.done $0x0;
	(pc) =	sbr.rel @p1 .LBB2_2-.Ltmp1, $4  }
0x46: {  	[sflag:s12] =	ssyncadd.s32 $0xFFFFC000  }
0x47: {  	[hbm4b:s22+s3] =	stream.linear.scatter [tilespmem:s16], [sflag:$0x3], $0x4000, $0x38;
	[tilespmem:$0x1B980] =	vst v63  }
0x48: {  	_ =	swait.ge [sflag:s12], $0x4000  }
0x49: {  	s21 =	sadd.s32 $0x10000, s21;
	s22 =	sadd.s32 $0x10000, s22;
	[sflag:s12] =	ssyncset.done $0x0  }
.LBB2_3:
0x4a: {  	s19 =	sadd.s32 $0x1, s19  }
0x4b: {  	p1 =	sne.s32 s19, s5  }
.Ltmp2:
0x4c: {  	_ = 	snop;
	(pc) =	sbr.rel @p1 .LBB2_1-.Ltmp2, $2  }
0x4d: {  	_ =	sdelay $0x2  }
0x4e: {  	[sflag:s12] =	ssyncadd.s32 $0xFFFFC000  }
0x4f: {  	_ =	sfence.sel $0x180000  }
0x50: {  	[bflag:$0x0] =	sbarrier.arrive $0xFFFF  }
0x51: {  	_ =	strace $0x90000047  }
0x52: {  	s0 =	sadd.s32 @!p0 $0x100000, s0;
	[bflag:$0x2] =	sbarrier.arrive $0xFFFF  }
0x53: {  	[sflag:s0] =	ssyncadd.tile.s32 @!p0 $0x1;
	_ =	shalt  }
.Lfunc_end2:
_tile_overlayer_lowered:
.L_overlay_start_2:
0x54: {  	(tag) =	ssettag $0x2  }
0x55: {  	s0 =	rddreg [dreg:$0x0];
	s2 =	stileid.u32  }
0x56: {  	s1 =	rddreg [dreg:$0x1];
	p0 =	sne.s32 s2, $0x0  }
0x57: {  	s3 =	rddreg [dreg:$0x2];
	[bflag:$0x3] =	sbarrier.arrive $0xFFFF;
	s2 =	simm.s32 @!p0 $0x1C03  }
0x58: {  	[timem:s3], [sflag:s2] =	dma.local @!p0 [hbm:s0], s1  }
0x59: {  	s0 =	simm.s32 @!p0 $0x3  }
0x5a: {  	_ =	swait.ge @!p0 [sflag:s0], s1  }
0x5b: {  	s1 =	ssub.s32 @!p0 $0x0, s1;
	[sflag:s0] =	ssyncset.done @!p0 $0x0  }
0x5c: {  	[sflag:s0] =	ssyncadd.s32 @!p0 s1  }
0x5d: {  	[bflag:$0x3] =	sbarrier.arrive $0xFFFF  }
0x5e: {  	_ =	shalt  }

// kernel: kernel.9.cloned.1.call-start
scs
__scs_entry_jumppad:
0x0: {  	(pc) =	sbr.rel $0x88, $3  }
0x1: {  	(tag) =	ssettag $0x0;
	lr =	simm.s32 $0x1  }
0x2: {  	[smem:$0x3F77] =	sst lr;
	_ =	strace $0xD0000000  }
0x3: {  	_ = 	snop  }
0x4: {  	_ = 	snop  }
0x5: {  	_ = 	snop  }
0x6: {  	_ = 	snop  }
0x7: {  	_ = 	snop  }
__scs_overlays_trampoline_lowered:
0x8: {  	[smem:$0x3F86] =	sst s0  }
0x9: {  	[smem:$0x3F87] =	sst s1  }
0xa: {  	[smem:$0x3F88] =	sst s2  }
0xb: {  	[smem:$0x3F89] =	sst s3  }
0xc: {  	[smem:$0x3F8A] =	sst s4  }
0xd: {  	[smem:$0x3F8B] =	sst s5  }
0xe: {  	[smem:$0x3F8C] =	sst s6  }
0xf: {  	[smem:$0x3F8D] =	sst s7  }
0x10: {  	[smem:$0x3F8E] =	sst s8  }
0x11: {  	[smem:$0x3F8F] =	sst s9;
	s0 =	simm.s32 @!p0 $0x0  }
0x12: {  	s1 =	sld [smem:$0x3F75];
	s0 =	simm.s32 @p0 $0x1  }
0x13: {  	[smem:$0x3F90] =	sst s0;
	s0 =	simm.s32 @!p1 $0x0  }
0x14: {  	s2 =	sld [smem:$0x3F74];
	s0 =	simm.s32 @p1 $0x1  }
0x15: {  	[smem:$0x3F91] =	sst s0;
	s0 =	simm.s32 @!p2 $0x0  }
0x16: {  	s3 =	sld [smem:$0x3FDB];
	s0 =	simm.s32 @p2 $0x1  }
0x17: {  	s4 =	simm.s32 $0x1BF5;
	[smem:$0x3F93] =	sst s0  }
0x18: {  	s0 =	sld [smem:$0x3F76];
	_ =	swait.ge [sflag:s4], $0x0  }
0x19: {  	s7 =	sld [smem:$0x3F77]  }
0x1a: {  	s8 =	sadd.s32 $0xFFFFE003, lr  }
0x1b: {  	s9 =	sadd.s32 $0xFFFFFEF7, lr;
	s5 =	simm.s32 $0xFFFFFFFF;
	p2 =	slt.u32 s8, $0xFFFFF086  }
0x1c: {  	p1 =	slt.u32 s9, $0xF7A;
	s5 =	simm.s32 @!p2 $0x0  }
0x1d: {  	s5 =	simm.s32 @p1 $0x1;
	p0 =	seq.s32 s7, s2  }
0x1e: {  	s7 =	smul.u32 @!p0 $0xF7A, s2;
	p2 =	seq.s32 @!p0 s5, $0x0  }
0x1f: {  	s9 =	smul.u32 $0xF7A, s1;
	s8 =	simm.s32 @!p0 $0x1BF5;
	p2 =	por !p2, p0  }
0x20: {  	[sflag:s8] =	ssyncset.s32 @!p0 $0xFFFFF086;
	s6 =	sadd.s32 @!p0 s3, s7;
	s7 =	simm.s32 @!p0 $0x108  }
0x21: {  	s3 =	sadd.s32 s3, s9;
	s6 =	sadd.s32 @!p0 $0x88, s6;
	s7 =	simm.s32 @p2 $0x1082  }
0x22: {  	[simem:s7], [sflag:s8] =	dma.local @!p0 [hbm:s6], $0xF7A  }
0x23: {  	s9 =	sor.u32 $0xD0000000, s2;
	s6 =	simm.s32 $0x108;
	_ =	swait.ge @!p0 [sflag:s8], $0x0  }
0x24: {  	s3 =	sadd.s32 $0x88, s3;
	s6 =	simm.s32 @!p1 $0x1082;
	[sflag:s4] =	ssyncset.s32 $0xFFFFF086  }
0x25: {  	[simem:s6], [sflag:s4] =	dma.local [hbm:s3], $0xF7A  }
0x26: {  	[smem:$0x3F77] =	sst s1;
	(tag) =	ssettag s2;
	_ =	strace s9  }
0x27: {  	s1 =	sld [smem:$0x3F87]  }
0x28: {  	s2 =	sld [smem:$0x3F88]  }
0x29: {  	s4 =	sld [smem:$0x3F8A]  }
0x2a: {  	p0 =	seq.s32 s5, $0x0;
	s5 =	sld [smem:$0x3F8B]  }
0x2b: {  	s6 =	sld [smem:$0x3F8C]  }
0x2c: {  	s7 =	sld [smem:$0x3F8D]  }
0x2d: {  	s3 =	simm.s32 $0x108;
	s8 =	sld [smem:$0x3F8E]  }
0x2e: {  	s3 =	simm.s32 @!p0 $0x1082;
	s9 =	sld [smem:$0x3F8F]  }
0x2f: {  	lr =	sadd.s32 s0, s3;
	s0 =	sld [smem:$0x3F86]  }
0x30: {  	s3 =	sld [smem:$0x3F89]  }
0x31: {  	[smem:$0x3F92] =	sst s10  }
0x32: {  	s10 =	sld [smem:$0x3F90];
	_ =	sdelay $0x3  }
0x33: {  	p0 =	seq.s32 s10, $0x1;
	s10 =	sld [smem:$0x3F92];
	_ =	sdelay $0x3  }
0x34: {  	[smem:$0x3F92] =	sst s10  }
0x35: {  	s10 =	sld [smem:$0x3F91];
	_ =	sdelay $0x3  }
0x36: {  	p1 =	seq.s32 s10, $0x1;
	s10 =	sld [smem:$0x3F92];
	_ =	sdelay $0x3  }
0x37: {  	[smem:$0x3F92] =	sst s10  }
0x38: {  	s10 =	sld [smem:$0x3F93]  }
0x39: {  	_ = 	snop;
	(pc) =	sbr.ind lr, $3  }
0x3a: {  	_ = 	snop  }
0x3b: {  	_ = 	snop  }
0x3c: {  	p2 =	seq.s32 s10, $0x1;
	s10 =	sld [smem:$0x3F92]  }
0x3d: {  	_ =	shalt  }
0x3e: {  	_ =	shalt  }
0x3f: {  	_ =	shalt  }
0x40: {  	_ =	shalt  }
0x41: {  	_ =	shalt  }
0x42: {  	_ =	shalt  }
0x43: {  	_ =	shalt  }
0x44: {  	_ =	shalt  }
0x45: {  	_ =	shalt  }
0x46: {  	_ =	shalt  }
0x47: {  	_ =	shalt  }
0x48: {  	_ =	shalt  }
0x49: {  	_ =	shalt  }
0x4a: {  	_ =	shalt  }
0x4b: {  	_ =	shalt  }
0x4c: {  	_ =	shalt  }
0x4d: {  	_ =	shalt  }
0x4e: {  	_ =	shalt  }
0x4f: {  	_ =	shalt  }
0x50: {  	_ =	shalt  }
0x51: {  	_ =	shalt  }
0x52: {  	_ =	shalt  }
0x53: {  	_ =	shalt  }
0x54: {  	_ =	shalt  }
0x55: {  	_ =	shalt  }
0x56: {  	_ =	shalt  }
0x57: {  	_ =	shalt  }
0x58: {  	_ =	shalt  }
0x59: {  	_ =	shalt  }
0x5a: {  	_ =	shalt  }
0x5b: {  	_ =	shalt  }
0x5c: {  	_ =	shalt  }
0x5d: {  	_ =	shalt  }
0x5e: {  	_ =	shalt  }
0x5f: {  	_ =	shalt  }
0x60: {  	_ =	shalt  }
0x61: {  	_ =	shalt  }
0x62: {  	_ =	shalt  }
0x63: {  	_ =	shalt  }
0x64: {  	_ =	shalt  }
0x65: {  	_ =	shalt  }
0x66: {  	_ =	shalt  }
0x67: {  	_ =	shalt  }
0x68: {  	_ =	shalt  }
0x69: {  	_ =	shalt  }
0x6a: {  	_ =	shalt  }
0x6b: {  	_ =	shalt  }
0x6c: {  	_ =	shalt  }
0x6d: {  	_ =	shalt  }
0x6e: {  	_ =	shalt  }
0x6f: {  	_ =	shalt  }
0x70: {  	_ =	shalt  }
0x71: {  	_ =	shalt  }
0x72: {  	_ =	shalt  }
0x73: {  	_ =	shalt  }
0x74: {  	_ =	shalt  }
0x75: {  	_ =	shalt  }
0x76: {  	_ =	shalt  }
0x77: {  	_ =	shalt  }
0x78: {  	_ =	shalt  }
0x79: {  	_ =	shalt  }
0x7a: {  	_ =	shalt  }
0x7b: {  	_ =	shalt  }
0x7c: {  	_ =	shalt  }
0x7d: {  	_ =	shalt  }
0x7e: {  	_ =	shalt  }
0x7f: {  	_ =	shalt  }
0x80: {  	_ =	shalt  }
0x81: {  	_ =	shalt  }
0x82: {  	_ =	shalt  }
0x83: {  	_ =	shalt  }
0x84: {  	_ =	shalt  }
0x85: {  	_ =	shalt  }
0x86: {  	_ =	shalt  }
0x87: {  	_ =	shalt  }
.Lfunc_end0:
.L_simem_size_0:
called_computation.1_lowered:
.L_overlay_start_0:
0x88: {  	s2 =	sld [smem:$0x3FD9]  }
0x89: {  	s3 =	sld [smem:$0x3FFE];
	_ =	sdelay $0x1  }
0x8a: {  	s1 =	srdreg.scid  }
0x8b: {  	s0 =	sand.u32 $0x1, s1  }
0x8c: {  	s14 =	sshll.u32 s0, $0xA;
	s2 =	sadd.s32 s3, s2  }
0x8d: {  	s2 =	sadd.s32 s2, s14  }
0x8e: {  	[smem:$0x3F9E] =	sst s2  }
0x8f: {  	_ = 	snop  }
0x90: {  	s2 =	sld [smem:$0x3FD0];
	_ =	sdelay $0x2  }
0x91: {  	s15 =	simm.s32 $0xA;
	s4 =	simm.s32 $0x10  }
0x92: {  	[smem:s4], [sflag:s15] =	dma.local [hbm:s2], $0x1  }
0x93: {  	_ =	swait.eq [sflag:s15], $0x1  }
0x94: {  	[sflag:s15] =	ssyncset.done $0x0  }
0x95: {  	[sflag:s15] =	ssyncadd.s32 $0xFFFFFFFF  }
0x96: {  	s16 =	sld [smem:$0x10];
	(tm) =	ssettm $0x1  }
0x97: {  	s17 =	sld [smem:$0x3FFB];
	_ =	sdelay $0x3  }
0x98: {  	_ =	strace s17  }
0x99: {  	s3 =	sld [smem:$0x3FFC];
	_ =	sdelay $0x3  }
0x9a: {  	_ =	strace s3  }
0x9b: {  	s3 =	sld [smem:$0x3FFD];
	_ =	sdelay $0x3  }
0x9c: {  	_ =	strace s3  }
0x9d: {  	_ =	strace $0x8FFFFFFF  }
0x9e: {  	s18 =	sld [smem:$0x3FDB];
	_ =	sdelay $0x1  }
0x9f: {  	s19 =	simm.s32 $_scs_section_size  }
0xa0: {  	s5 =	simm.s32 $_size__tile_overlayer_lowered;
	s6 =	simm.s32 $_tile_overlayer_lowered  }
0xa1: {  	s22 =	simm.s32 $0x1BFF;
	s21 =	sshll.u32 s6, $0x1;
	s3 =	sadd.s32 s19, s18  }
0xa2: {  	s7 =	simm.s32 $0x0;
	s20 =	sshll.u32 s5, $0x1;
	s5 =	sadd.s32 s21, s3  }
0xa3: {  	[timem:s7], [sflag:s22] =	dma.local [hbm:s5], s20  }
0xa4: {  	_ =	swait.ge [sflag:s22], s20  }
0xa5: {  	s4 =	ssub.s32 $0x0, s20;
	[sflag:s22] =	ssyncset.done $0x0  }
0xa6: {  	[sflag:s22] =	ssyncadd.s32 s4;
	_ =	sdelay $0x1  }
0xa7: {  	s23 =	simm.s32 $0x1B8B  }
0xa8: {  	_ =	swait.ge [sflag:s23], $0x1  }
0xa9: {  	[sflag:s23] =	ssyncset.done $0x0  }
0xaa: {  	s25 =	simm.s32 $0x1B8E;
	s24 =	sld [smem:$0x3FFE];
	[sflag:s23] =	ssyncadd.s32 $0xFFFFFFFF  }
0xab: {  	s26 =	simm.s32 $execute0_lowered;
	[smem:$0x3FD2] =	sst s25  }
0xac: {  	s5 =	sshll.u32 s26, $0x1;
	_ =	strace $0x80000049;
	[dreg:$0x1] =	wrdreg $0xFFFFFFFF  }
0xad: {  	s28 =	simm.s32 $_size_execute0_lowered;
	s3 =	sadd.s32 s3, s5;
	[dreg:$0x0] =	wrdreg $0x0  }
0xae: {  	s5 =	sshll.u32 s28, $0x1;
	[dreg:$0x2] =	wrdreg s3  }
0xaf: {  	[dreg:$0x3] =	wrdreg s5  }
0xb0: {  	[dreg:$0x4] =	wrdreg $0xC0  }
0xb1: {  	_ =	task [dreg:s7], $0x5FFFF  }
0xb2: {  	[dreg:$0x1] =	wrdreg $0xFFFFFFFF  }
0xb3: {  	[dreg:$0x0] =	wrdreg $0x60  }
0xb4: {  	[dreg:$0x2] =	wrdreg s24  }
0xb5: {  	[dreg:$0x3] =	wrdreg s16  }
0xb6: {  	[dreg:$0x4] =	wrdreg $0x0  }
0xb7: {  	[dreg:$0x5] =	wrdreg $0x9  }
0xb8: {  	_ =	task.clear_ibuf [dreg:s7], $0x6FFFF;
	_ =	strace $0x90000049  }
0xb9: {  	s29 =	simm.s32 $0x9;
	_ =	strace $0x8000004B  }
0xba: {  	_ =	swait.ge [sflag:s29], $0x1  }
0xbb: {  	[sflag:s29] =	ssyncadd.s32 $0xFFFFFFFF  }
0xbc: {  	_ =	strace $0x9000004B  }
0xbd: {  	_ =	sfence  }
0xbe: {  	s30 =	sld [smem:$0x0];
	_ =	sdelay $0x2  }
0xbf: {  	s31 =	sshll.u32 s1, $0xD;
	s1 =	sshrl.u32 s1, $0x2  }
0xc0: {  	s3 =	sand.u32 $0x4000, s31;
	s1 =	sadd.s32 s1, s30  }
0xc1: {  	s0 =	sor.u32 s3, s0;
	s1 =	sshll.u32 s1, $0x11  }
0xc2: {  	s0 =	sor.u32 s1, s0  }
0xc3: {  	s0 =	sadd.s32 $0x8F2B, s0  }
0xc4: {  	[sflag:s0] =	ssyncadd.remote.s32 $0x1  }
0xc5: {  	_ =	sfence.sel $0xFFFF  }
0xc6: {  	[dreg:$0x0] =	wrdreg $0xFFFFFFFF;
	(pc) =	sbr.abs _section_cstart, $3  }
0xc7: {  	[dreg:$0x1] =	wrdreg $0xFFFFFFFF  }
0xc8: {  	_ =	task.clear_ibuf [dreg:s7], $0x2FFFF;
	_ =	strace $0x9FFFFFFF  }
0xc9: {  	(tm) =	ssettm $0x7FFFFFFF  }
tec
execute0_lowered:
.L_overlay_start_1:
0x0: {  	(tag) =	ssettag $0x1  }
0x1: {  	s4 =	rddreg [dreg:$0x0]  }
0x2: {  	s1 =	rddreg [dreg:$0x1]  }
0x3: {  	s2 =	rddreg [dreg:$0x2]  }
0x4: {  	s0 =	rddreg [dreg:$0x3]  }
0x5: {  	s5 =	srdreg.scid;
	s3 =	simm.s32 $0x0;
	s9 =	stileid.u32  }
0x6: {  	s12 =	simm.s32 $0x758;
	s13 =	simm.s32 $0x1;
	s14 =	simm.s32 $0x858  }
0x7: {  	s15 =	simm.s32 $0x80;
	s16 =	simm.s32 $0x7D8;
	s17 =	simm.s32 $0x0  }
0x8: {  	s5 =	sand.u32 $0x1, s5;
	[smem:$0x7FF] =	sst s3;
	s6 =	sshll.u32 s9, $0x8  }
0x9: {  	p0 =	slt.u32 s9, $0x2;
	s7 =	sshll.u32 s5, $0x7;
	_ =	strace $0x8000004A  }
0xa: {  	s28 =	sshll.u32 s5, $0x4;
	s5 =	ssub.s32 $0x2, s5;
	s6 =	sor.u32 s7, s6  }
0xb: {  	s29 =	sadd.s32 s28, s4;
	s30 =	sshrl.u32 s5, $0x1;
	s6 =	sshrl.u32 s6, $0x3  }
0xc: {  	s31 =	ssub.s32 s5, s30;
	s10 =	sadd.s32 s6, s4;
	s4 =	simm.s32 $0x4F  }
0xd: {  	s5 =	sadd.s32 $0x2D200, s29;
	s6 =	smax.u32 s31, $0x1;
	s4 =	simm.s32 @!p0 $0x4E  }
0xe: {  	s7 =	sadd.s32 $0x19600, s10;
	s8 =	sadd.s32 $0xF800, s10;
	p0 =	sne.s32 s9, $0x0  }
0xf: {  	s9 =	sadd.s32 $0x23400, s10;
	s10 =	sadd.s32 $0x5A00, s10;
	s11 =	sshrl.u32 @!p0 s2, $0x3  }
.LBB2_1:
0x10: {  	s19 =	simm.s32 @!p0 $0x1C01;
	s18 =	simm.s32 @!p0 $0x1  }
0x11: {  	[spmem:s11], [sflag:s19] =	dma.local @!p0 [hbm:s1], $0xEB0  }
0x12: {  	_ =	swait.ge @!p0 [sflag:s18], $0xEB0  }
0x13: {  	[sflag:s18] =	ssyncset.done @!p0 $0x0  }
0x14: {  	[sflag:s18] =	ssyncadd.s32 @!p0 $0xFFFFF150  }
0x15: {  	[bflag:$0x0] =	sbarrier.arrive $0xFFFF  }
0x16: {  	[tilespmem:s12], [sflag:$0x1] =	stream.linear.gather [hbm4b:s10+s3], $0x80, $0x38;
	[tilespmem:$0x8D8] =	vst v63  }
0x17: {  	_ =	swait.ge [sflag:s13], $0x80  }
0x18: {  	[sflag:s13] =	ssyncset.done $0x0  }
0x19: {  	[sflag:s13] =	ssyncadd.s32 $0xFFFFFF80  }
0x1a: {  	v0 =	vld [tilespmem:$0x758]  }
0x1b: {  	v1 =	vld [tilespmem:$0x778]  }
0x1c: {  	v2 =	vld [tilespmem:$0x788]  }
0x1d: {  	v3 =	vld [tilespmem:$0x798]  }
0x1e: {  	v4 =	vld [tilespmem:$0x7B8]  }
0x1f: {  	v5 =	vld [tilespmem:$0x7C8];
	v0 =	vmul.u32 $0x3, v0  }
0x20: {  	v6 =	vld [tilespmem:$0x768];
	v1 =	vmul.u32 $0x3, v1  }
0x21: {  	v7 =	vld [tilespmem:$0x7A8];
	[tilespmem:$0x7D8] =	vst v0;
	v0 =	vmul.u32 $0x3, v2  }
0x22: {  	v2 =	vmul.u32 $0x3, v3;
	[tilespmem:$0x7F8] =	vst v1  }
0x23: {  	v1 =	vmul.u32 $0x3, v4;
	[tilespmem:$0x808] =	vst v0  }
0x24: {  	v0 =	vmul.u32 $0x3, v5;
	[tilespmem:$0x818] =	vst v2  }
0x25: {  	v2 =	vmul.u32 $0x3, v6;
	[tilespmem:$0x838] =	vst v1  }
0x26: {  	v1 =	vmul.u32 $0x3, v7;
	[tilespmem:$0x848] =	vst v0  }
0x27: {  	[tilespmem:$0x7E8] =	vst v2  }
0x28: {  	[tilespmem:$0x828] =	vst v1  }
0x29: {  	[tilespmem:s14], [sflag:$0x1] =	stream.linear.gather [hbm4b:s9+s3], $0x80, $0x38;
	[tilespmem:$0x8D8] =	vst v63  }
0x2a: {  	_ =	swait.ge [sflag:s13], $0x80  }
0x2b: {  	[sflag:s13] =	ssyncset.done $0x0  }
0x2c: {  	p1 =	sne.s32 s4, $0x1;
	[sflag:s13] =	ssyncadd.s32 $0xFFFFFF80  }
0x2d: {  	[spmem:s2] =	stream.indirect.scatter.add.f32 [tilespmem:s14], [sflag:$0x1], $0x1, s16, s15, $0xb8;
	[tilespmem:$0x8D8] =	vst v63  }
.Ltmp0:
0x2e: {  	_ = 	snop;
	(pc) =	sbr.rel @!p1 .LBB2_3-.Ltmp0, $4  }
0x2f: {  	_ =	swait.ge [sflag:s13], $0x80  }
0x30: {  	s22 =	sadd.s32 $0xFFFFFFFF, s4;
	s23 =	sadd.s32 $0x200, s10;
	[sflag:s13] =	ssyncset.done $0x0  }
0x31: {  	s24 =	smov.u32 s7;
	s25 =	smov.u32 s8;
	[sflag:s13] =	ssyncadd.s32 $0xFFFFFF80  }
0x32: {  	s26 =	smov.u32 s9;
	s21 =	smov.u32 s8;
	s20 =	smov.u32 s7;
	v0 =	vld [tilespmem:$0x758]  }
.LBB2_2:
0x33: {  	v1 =	vld [tilespmem:$0x768];
	s24 =	sadd.s32 $0x200, s24;
	s25 =	sadd.s32 $0x200, s25;
	s26 =	sadd.s32 $0x200, s26  }
0x34: {  	p1 =	sne.s32 s22, $0x1;
	s22 =	sadd.s32 $0xFFFFFFFF, s22;
	v2 =	vld [tilespmem:$0x778]  }
0x35: {  	v3 =	vld [tilespmem:$0x7C8]  }
0x36: {  	v4 =	vld [tilespmem:$0x798]  }
0x37: {  	v0 =	vmul.u32 $0x3, v0;
	v5 =	vld [tilespmem:$0x7B8]  }
0x38: {  	v1 =	vmul.u32 $0x3, v1;
	v6 =	vld [tilespmem:$0x7A8]  }
0x39: {  	v0 =	vadd.s32 $0x1, v0;
	v2 =	vmul.u32 $0x3, v2;
	v7 =	vld [tilespmem:$0x788]  }
0x3a: {  	[tilespmem:$0x7D8] =	vst v0;
	v0 =	vadd.s32 $0x1, v1;
	v1 =	vmul.u32 $0x3, v3  }
0x3b: {  	[tilespmem:$0x7E8] =	vst v0;
	v0 =	vadd.s32 $0x1, v2;
	v2 =	vmul.u32 $0x3, v4  }
0x3c: {  	[tilespmem:$0x7F8] =	vst v0;
	v0 =	vmul.u32 $0x3, v5;
	v1 =	vadd.s32 $0x1, v1  }
0x3d: {  	v2 =	vadd.s32 $0x1, v2;
	v3 =	vmul.u32 $0x3, v6;
	[tilespmem:$0x848] =	vst v1  }
0x3e: {  	v1 =	vmul.u32 $0x3, v7;
	[tilespmem:$0x818] =	vst v2;
	v0 =	vadd.s32 $0x1, v0  }
0x3f: {  	v2 =	vadd.s32 $0x1, v3;
	[tilespmem:$0x838] =	vst v0  }
0x40: {  	v0 =	vadd.s32 $0x1, v1;
	[tilespmem:$0x828] =	vst v2  }
0x41: {  	[tilespmem:$0x808] =	vst v0  }
0x42: {  	[tilespmem:s14], [sflag:$0x1] =	stream.linear.gather [hbm4b:s21+s3], $0x80, $0x38;
	[tilespmem:$0x8D8] =	vst v63  }
0x43: {  	s21 =	smov.u32 s25;
	_ =	swait.ge [sflag:s13], $0x80  }
0x44: {  	[sflag:s13] =	ssyncset.done $0x0  }
0x45: {  	[sflag:s13] =	ssyncadd.s32 $0xFFFFFF80  }
0x46: {  	[spmem:s2] =	stream.indirect.scatter.add.f32 [tilespmem:s14], [sflag:$0x1], $0x1, s16, s15, $0xb8;
	[tilespmem:$0x8D8] =	vst v63  }
0x47: {  	_ =	swait.ge [sflag:s13], $0x80  }
0x48: {  	[sflag:s13] =	ssyncset.done $0x0  }
0x49: {  	[sflag:s13] =	ssyncadd.s32 $0xFFFFFF80  }
0x4a: {  	v0 =	vld [tilespmem:$0x758]  }
0x4b: {  	v1 =	vld [tilespmem:$0x768]  }
0x4c: {  	v2 =	vld [tilespmem:$0x778]  }
0x4d: {  	v3 =	vld [tilespmem:$0x788]  }
0x4e: {  	v4 =	vld [tilespmem:$0x7A8]  }
0x4f: {  	v0 =	vmul.u32 $0x3, v0;
	v5 =	vld [tilespmem:$0x7B8]  }
0x50: {  	v1 =	vmul.u32 $0x3, v1;
	v6 =	vld [tilespmem:$0x7C8]  }
0x51: {  	v0 =	vadd.s32 $0x2, v0;
	v2 =	vmul.u32 $0x3, v2  }
0x52: {  	[tilespmem:$0x7D8] =	vst v0;
	v0 =	vadd.s32 $0x2, v1;
	v1 =	vmul.u32 $0x3, v3;
	v3 =	vld [tilespmem:$0x798]  }
0x53: {  	[tilespmem:$0x7E8] =	vst v0;
	v0 =	vadd.s32 $0x2, v2;
	v2 =	vmul.u32 $0x3, v4  }
0x54: {  	[tilespmem:$0x7F8] =	vst v0;
	v0 =	vadd.s32 $0x2, v1;
	v1 =	vmul.u32 $0x3, v5  }
0x55: {  	[tilespmem:$0x808] =	vst v0;
	v0 =	vadd.s32 $0x2, v2;
	v2 =	vmul.u32 $0x3, v6  }
0x56: {  	[tilespmem:$0x828] =	vst v0;
	v0 =	vadd.s32 $0x2, v1  }
0x57: {  	v1 =	vmul.u32 $0x3, v3;
	[tilespmem:$0x838] =	vst v0;
	v0 =	vadd.s32 $0x2, v2  }
0x58: {  	[tilespmem:$0x848] =	vst v0  }
0x59: {  	v0 =	vadd.s32 $0x2, v1  }
0x5a: {  	[tilespmem:$0x818] =	vst v0  }
0x5b: {  	[tilespmem:s14], [sflag:$0x1] =	stream.linear.gather [hbm4b:s20+s3], $0x80, $0x38;
	[tilespmem:$0x8D8] =	vst v63  }
0x5c: {  	s20 =	smov.u32 s24;
	_ =	swait.ge [sflag:s13], $0x80  }
0x5d: {  	[sflag:s13] =	ssyncset.done $0x0  }
0x5e: {  	[sflag:s13] =	ssyncadd.s32 $0xFFFFFF80  }
0x5f: {  	[spmem:s2] =	stream.indirect.scatter.add.f32 [tilespmem:s14], [sflag:$0x1], $0x1, s16, s15, $0xb8;
	[tilespmem:$0x8D8] =	vst v63  }
0x60: {  	_ =	swait.ge [sflag:s13], $0x80  }
0x61: {  	[sflag:s13] =	ssyncset.done $0x0  }
0x62: {  	[sflag:s13] =	ssyncadd.s32 $0xFFFFFF80  }
0x63: {  	[tilespmem:s12], [sflag:$0x1] =	stream.linear.gather [hbm4b:s23+s3], $0x80, $0x38;
	[tilespmem:$0x8D8] =	vst v63  }
0x64: {  	_ =	swait.ge [sflag:s13], $0x80  }
0x65: {  	[sflag:s13] =	ssyncset.done $0x0  }
0x66: {  	[sflag:s13] =	ssyncadd.s32 $0xFFFFFF80  }
0x67: {  	v0 =	vld [tilespmem:$0x798]  }
0x68: {  	v1 =	vld [tilespmem:$0x758]  }
0x69: {  	v2 =	vld [tilespmem:$0x778]  }
0x6a: {  	v3 =	vld [tilespmem:$0x788]  }
0x6b: {  	v4 =	vld [tilespmem:$0x7B8]  }
0x6c: {  	v5 =	vld [tilespmem:$0x7C8]  }
0x6d: {  	v1 =	vmul.u32 $0x3, v1;
	v6 =	vld [tilespmem:$0x7A8]  }
0x6e: {  	v7 =	vld [tilespmem:$0x768];
	v2 =	vmul.u32 $0x3, v2  }
0x6f: {  	v0 =	vmul.u32 $0x3, v0;
	[tilespmem:$0x7D8] =	vst v1;
	v1 =	vmul.u32 $0x3, v3  }
0x70: {  	[tilespmem:$0x7F8] =	vst v2;
	v2 =	vmul.u32 $0x3, v4  }
0x71: {  	[tilespmem:$0x808] =	vst v1;
	v1 =	vmul.u32 $0x3, v5  }
0x72: {  	[tilespmem:$0x818] =	vst v0;
	v0 =	vmul.u32 $0x3, v6  }
0x73: {  	v3 =	vmul.u32 $0x3, v7;
	[tilespmem:$0x838] =	vst v2  }
0x74: {  	[tilespmem:$0x848] =	vst v1  }
0x75: {  	[tilespmem:$0x7E8] =	vst v3  }
0x76: {  	[tilespmem:$0x828] =	vst v0  }
0x77: {  	[tilespmem:s14], [sflag:$0x1] =	stream.linear.gather [hbm4b:s26+s3], $0x80, $0x38;
	[tilespmem:$0x8D8] =	vst v63  }
0x78: {  	_ =	swait.ge [sflag:s13], $0x80  }
0x79: {  	[sflag:s13] =	ssyncset.done $0x0  }
0x7a: {  	[sflag:s13] =	ssyncadd.s32 $0xFFFFFF80  }
0x7b: {  	[spmem:s2] =	stream.indirect.scatter.add.f32 [tilespmem:s14], [sflag:$0x1], $0x1, s16, s15, $0xb8;
	[tilespmem:$0x8D8] =	vst v63  }
.Ltmp1:
0x7c: {  	_ = 	snop;
	(pc) =	sbr.rel @p1 .LBB2_2-.Ltmp1, $4  }
0x7d: {  	_ =	swait.ge [sflag:s13], $0x80  }
0x7e: {  	[sflag:s13] =	ssyncset.done $0x0  }
0x7f: {  	[sflag:s13] =	ssyncadd.s32 $0xFFFFFF80  }
0x80: {  	s23 =	sadd.s32 $0x200, s23;
	v0 =	vld [tilespmem:$0x758]  }
.LBB2_3:
0x81: {  	v1 =	vld [tilespmem:$0x768]  }
0x82: {  	v2 =	vld [tilespmem:$0x778]  }
0x83: {  	v3 =	vld [tilespmem:$0x7C8]  }
0x84: {  	v4 =	vld [tilespmem:$0x798]  }
0x85: {  	v5 =	vld [tilespmem:$0x7B8];
	v0 =	vmul.u32 $0x3, v0  }
0x86: {  	v6 =	vld [tilespmem:$0x7A8];
	v1 =	vmul.u32 $0x3, v1  }
0x87: {  	v7 =	vld [tilespmem:$0x788];
	v2 =	vmul.u32 $0x3, v2;
	v0 =	vadd.s32 $0x1, v0  }
0x88: {  	v36 =	vmul.u32 $0x3, v3;
	[tilespmem:$0x7D8] =	vst v0;
	v35 =	vadd.s32 $0x1, v1  }
0x89: {  	v38 =	vmul.u32 $0x3, v4;
	v37 =	vadd.s32 $0x1, v2;
	[tilespmem:$0x7E8] =	vst v35  }
0x8a: {  	v39 =	vmul.u32 $0x3, v5;
	v1 =	vadd.s32 $0x1, v36;
	[tilespmem:$0x7F8] =	vst v37  }
0x8b: {  	v40 =	vmul.u32 $0x3, v6;
	v2 =	vadd.s32 $0x1, v38;
	[tilespmem:$0x848] =	vst v1  }
0x8c: {  	v41 =	vmul.u32 $0x3, v7;
	v0 =	vadd.s32 $0x1, v39;
	[tilespmem:$0x818] =	vst v2  }
0x8d: {  	v42 =	vadd.s32 $0x1, v40;
	[tilespmem:$0x838] =	vst v0  }
0x8e: {  	v43 =	vadd.s32 $0x1, v41;
	[tilespmem:$0x828] =	vst v42  }
0x8f: {  	[tilespmem:$0x808] =	vst v43  }
0x90: {  	[tilespmem:s14], [sflag:$0x1] =	stream.linear.gather [hbm4b:s21+s3], $0x80, $0x38;
	[tilespmem:$0x8D8] =	vst v63  }
0x91: {  	_ =	swait.ge [sflag:s13], $0x80  }
0x92: {  	[sflag:s13] =	ssyncset.done $0x0  }
0x93: {  	[sflag:s13] =	ssyncadd.s32 $0xFFFFFF80  }
0x94: {  	[spmem:s2] =	stream.indirect.scatter.add.f32 [tilespmem:s14], [sflag:$0x1], $0x1, s16, s15, $0xb8;
	[tilespmem:$0x8D8] =	vst v63  }
0x95: {  	_ =	swait.ge [sflag:s13], $0x80  }
0x96: {  	[sflag:s13] =	ssyncset.done $0x0  }
0x97: {  	[sflag:s13] =	ssyncadd.s32 $0xFFFFFF80  }
0x98: {  	v44 =	vld [tilespmem:$0x758]  }
0x99: {  	v45 =	vld [tilespmem:$0x768]  }
0x9a: {  	v46 =	vld [tilespmem:$0x778]  }
0x9b: {  	v47 =	vld [tilespmem:$0x788]  }
0x9c: {  	v48 =	vld [tilespmem:$0x7A8]  }
0x9d: {  	v49 =	vld [tilespmem:$0x7B8];
	v0 =	vmul.u32 $0x3, v44  }
0x9e: {  	v50 =	vld [tilespmem:$0x7C8];
	v1 =	vmul.u32 $0x3, v45  }
0x9f: {  	v51 =	vld [tilespmem:$0x798];
	v2 =	vmul.u32 $0x3, v46;
	v0 =	vadd.s32 $0x2, v0  }
0xa0: {  	v53 =	vmul.u32 $0x3, v47;
	v52 =	vadd.s32 $0x2, v1;
	[tilespmem:$0x7D8] =	vst v0  }
0xa1: {  	v55 =	vmul.u32 $0x3, v48;
	v54 =	vadd.s32 $0x2, v2;
	[tilespmem:$0x7E8] =	vst v52  }
0xa2: {  	v57 =	vmul.u32 $0x3, v49;
	v56 =	vadd.s32 $0x2, v53;
	[tilespmem:$0x7F8] =	vst v54  }
0xa3: {  	v59 =	vmul.u32 $0x3, v50;
	v58 =	vadd.s32 $0x2, v55;
	[tilespmem:$0x808] =	vst v56  }
0xa4: {  	v61 =	vmul.u32 $0x3, v51;
	v60 =	vadd.s32 $0x2, v57;
	[tilespmem:$0x828] =	vst v58  }
0xa5: {  	v62 =	vadd.s32 $0x2, v59;
	[tilespmem:$0x838] =	vst v60  }
0xa6: {  	v63 =	vadd.s32 $0x2, v61;
	[tilespmem:$0x848] =	vst v62  }
0xa7: {  	[tilespmem:$0x818] =	vst v63  }
0xa8: {  	[tilespmem:s14], [sflag:$0x1] =	stream.linear.gather [hbm4b:s20+s3], $0x80, $0x38;
	[tilespmem:$0x8D8] =	vst v63  }
0xa9: {  	_ =	swait.ge [sflag:s13], $0x80  }
0xaa: {  	[sflag:s13] =	ssyncset.done $0x0  }
0xab: {  	[sflag:s13] =	ssyncadd.s32 $0xFFFFFF80  }
0xac: {  	[spmem:s2] =	stream.indirect.scatter.add.f32 [tilespmem:s14], [sflag:$0x1], $0x1, s16, s15, $0xb8;
	[tilespmem:$0x8D8] =	vst v63  }
0xad: {  	_ =	swait.ge [sflag:s13], $0x80  }
0xae: {  	s17 =	sadd.s32 $0x1, s17;
	[sflag:s13] =	ssyncset.done $0x0  }
0xaf: {  	p1 =	sne.s32 s17, s6;
	s21 =	simm.s32 @!p0 $0x10;
	[sflag:s13] =	ssyncadd.s32 $0xFFFFFF80  }
.Ltmp2:
0xb0: {  	s20 =	simm.s32 @!p0 $0x20;
	[bflag:$0x0] =	sbarrier.arrive $0xFFFF;
	(pc) =	sbr.rel @p1 .LBB2_1-.Ltmp2, $4  }
0xb1: {  	[hbm:s5@s20], [sflag:s19] =	dma.strided @!p0 [spmem:s11@s21], $0xEB0, s18, $0x10   }
0xb2: {  	_ =	swait.ge @!p0 [sflag:s18], $0xEB0  }
0xb3: {  	[sflag:s18] =	ssyncset.done @!p0 $0x0  }
0xb4: {  	[sflag:s18] =	ssyncadd.s32 @!p0 $0xFFFFF150  }
0xb5: {  	_ =	sfence.sel $0x180000  }
0xb6: {  	[bflag:$0x0] =	sbarrier.arrive $0xFFFF  }
0xb7: {  	_ =	strace $0x9000004A  }
0xb8: {  	s0 =	sadd.s32 @!p0 $0x100000, s0;
	[bflag:$0x2] =	sbarrier.arrive $0xFFFF  }
0xb9: {  	[sflag:s0] =	ssyncadd.tile.s32 @!p0 $0x1;
	_ =	shalt  }
.Lfunc_end2:
_tile_overlayer_lowered:
.L_overlay_start_2:
0xba: {  	(tag) =	ssettag $0x2  }
0xbb: {  	s0 =	rddreg [dreg:$0x0];
	s2 =	stileid.u32  }
0xbc: {  	s1 =	rddreg [dreg:$0x1];
	p0 =	sne.s32 s2, $0x0  }
0xbd: {  	s3 =	rddreg [dreg:$0x2];
	[bflag:$0x3] =	sbarrier.arrive $0xFFFF;
	s2 =	simm.s32 @!p0 $0x1C01  }
0xbe: {  	[timem:s3], [sflag:s2] =	dma.local @!p0 [hbm:s0], s1  }
0xbf: {  	s0 =	simm.s32 @!p0 $0x1  }
0xc0: {  	_ =	swait.ge @!p0 [sflag:s0], s1  }
0xc1: {  	s1 =	ssub.s32 @!p0 $0x0, s1;
	[sflag:s0] =	ssyncset.done @!p0 $0x0  }
0xc2: {  	[sflag:s0] =	ssyncadd.s32 @!p0 s1  }
0xc3: {  	[bflag:$0x3] =	sbarrier.arrive $0xFFFF  }
0xc4: {  	_ =	shalt  }

</sc_bundles>
